<compile_context>
chip_gen: v7x
topology: tpu7x:2x2x1
jax: 0.10.2.dev20260603
libtpu: 0.0.44.dev20260713+nightly
codegen_flags: <defaults>
</compile_context>

<pallas_src>
import functools

import jax
import jax.numpy as jnp
from jax import lax
from jax.experimental import pallas as pl
from jax.experimental.pallas import tpu as pltpu
from jax.experimental.pallas import tpu_sc as plsc



_BLK = 1024
_K = 4096
_C = 5


def _tc_body(x_ref, w_ref, b_ref, h_ref, out_ref):
    c = pl.program_id(1)
    xb = x_ref[...]
    w = w_ref[0]
    y = jnp.dot(xb, w, preferred_element_type=jnp.float32) - b_ref[0]
    s = jnp.sign(y)
    logits = jnp.dot(s, h_ref[...], preferred_element_type=jnp.float32)
    idx = jnp.argmax(logits, axis=1).astype(jnp.int32)
    out_ref[0, 0, :] = idx + c * _K


def _tc_indices(x, w5, b5, h):
    n = x.shape[0]
    grid = (n // _BLK, _C)
    return pl.pallas_call(
        _tc_body,
        grid=grid,
        in_specs=[
            pl.BlockSpec((_BLK, 30), lambda nb, c: (nb, 0)),
            pl.BlockSpec((1, 30, 45), lambda nb, c: (c, 0, 0)),
            pl.BlockSpec((1, 1, 45), lambda nb, c: (c, 0, 0)),
            pl.BlockSpec((45, _K), lambda nb, c: (0, 0)),
        ],
        out_specs=pl.BlockSpec((1, 1, _BLK), lambda nb, c: (c, 0, nb)),
        out_shape=jax.ShapeDtypeStruct((_C, 1, n), jnp.int32),
    )(x, w5, b5, h)



_D = 32
_DP = 128
_CHUNK = 128


def _make_sc_gather(total):
    info = plsc.get_sparse_core_info()
    nw = info.num_cores * info.num_subcores
    b_per_w = total // nw
    n_chunks = b_per_w // _CHUNK

    mesh = plsc.VectorSubcoreMesh(core_axis_name="c", subcore_axis_name="s")

    grp = 4 if n_chunks % 4 == 0 else 2
    n_grps = n_chunks // grp

    @functools.partial(
        pl.kernel,
        mesh=mesh,
        out_type=jax.ShapeDtypeStruct((total * _D,), jnp.float32),
        scratch_types=[
            pltpu.VMEM((n_chunks, _CHUNK), jnp.int32),
            pltpu.VMEM((2, _CHUNK, _DP), jnp.float32),
            pltpu.VMEM((grp * _CHUNK * _D,), jnp.float32),
            pltpu.SemaphoreType.DMA,
            pltpu.SemaphoreType.DMA,
        ],
    )
    def gather_k(idx_hbm, table_hbm, out_hbm, idx_v, pbuf, cbuf, sem0, sem1):
        wid = lax.axis_index("s") * info.num_cores + lax.axis_index("c")
        base = wid * b_per_w
        sems = (sem0, sem1)
        pltpu.sync_copy(idx_hbm.at[wid], idx_v)
        pltpu.async_copy(table_hbm.at[idx_v.at[0]], pbuf.at[0], sem0)

        def compact(buf_i, u):
            def crow(r4, _):
                for uu in range(4):
                    r = r4 * 4 + uu
                    dst = (u * _CHUNK + r) * _D
                    cbuf[pl.ds(dst, 16)] = pbuf[buf_i, r, pl.ds(0, 16)]
                    cbuf[pl.ds(dst + 16, 16)] = pbuf[buf_i, r, pl.ds(16, 16)]
                return 0

            lax.fori_loop(0, _CHUNK // 4, crow, 0)

        def body(g, _):
            for u in range(grp):
                j = g * grp + u
                bi = u % 2

                @pl.when(j + 1 < n_chunks)
                def _():
                    pltpu.async_copy(table_hbm.at[idx_v.at[j + 1]],
                                     pbuf.at[1 - bi], sems[1 - bi])

                pltpu.make_async_copy(table_hbm.at[idx_v.at[0]],
                                      pbuf.at[bi], sems[bi]).wait()
                compact(bi, u)
            pltpu.sync_copy(
                cbuf,
                out_hbm.at[pl.ds((base + g * grp * _CHUNK) * _D,
                                 grp * _CHUNK * _D)])
            return 0

        lax.fori_loop(0, n_grps, body, 0)

    return gather_k



def kernel(x, S, H, T, LUT):
    n = x.shape[0]
    wbig = jnp.einsum('jdk,ji->jdik', S, jnp.eye(15, dtype=S.dtype))
    w5 = wbig.reshape(30, 5, 45).transpose(1, 0, 2)
    b5 = (T.reshape(225) + jnp.float32(0.0001)).reshape(5, 1, 45)

    lut_pad = jnp.pad(LUT.reshape(_C * _K, _D), ((0, 0), (0, _DP - _D)))
    info = plsc.get_sparse_core_info()
    nw = info.num_cores * info.num_subcores

    half = n // 2
    gather = _make_sc_gather(half * _C)
    outs = []
    for xh in (x[:half], x[half:]):
        idx = _tc_indices(xh, w5, b5, H)
        flat_idx = idx.reshape(_C, half).T.reshape(nw, -1, _CHUNK)
        outs.append(gather(flat_idx, lut_pad).reshape(half, _C, _D))
    return jnp.concatenate(outs, axis=0)

# --- scband reference (transcript-rebuilt; emitter-appended) ---
"""Pipeline reference for scband-new-mm-77180562309399 (READ-ONLY COPY).

The authoritative reference and input builder live on the scoring server;
editing this copy changes nothing except your own understanding.
"""

import jax, jax.numpy as jnp
import numpy as np


def setup_inputs(seed: int = 0) -> dict:
    key = jax.random.key(seed)
    k1, k2, k3, k4, k5 = jax.random.split(key, 5)
    x = jax.random.normal(k1, (16384, 30), dtype=jnp.float32)
    S = jax.random.normal(k2, (15, 2, 15), dtype=jnp.float32)
    H = jax.random.normal(k3, (45, 4096), dtype=jnp.float32)
    T = jax.random.normal(k4, (15, 15), dtype=jnp.float32)
    LUT = jax.random.normal(k5, (5, 4096, 32), dtype=jnp.float32)
    return {"x": x, "S": S, "H": H, "T": T, "LUT": LUT}


def reference(x, S, H, T, LUT):
    # x: [N, 30] -> [N, 1, 15, 2]
    x = x.reshape(-1, 1, 15, 2)
    # einsum abcd,cdk->abck : [N,1,15,2] x [15,2,15] -> [N,1,15,15]
    x = jnp.einsum('abcd,cdk->abck', x, S)
    x = x - T - 0.0001
    tanh = jnp.tanh(x)
    sign = jnp.sign(x)
    # straight-through estimator: (sign - tanh).detach() + tanh
    x = jax.lax.stop_gradient(sign - tanh) + tanh
    x = x.reshape(-1, 1, 5, 3, 15)
    x = x.reshape(-1, 1, 5, 45)
    x = x.reshape(-1, 5, 45)
    # [N,5,45] x [45,4096] -> [N,5,4096]
    x = jnp.einsum('bcd,dk->bck', x, H)
    # hard codebook selection: argmax over 4096 codes per sub-code
    one_hot = jax.nn.one_hot(jnp.argmax(x, axis=-1), 4096, dtype=jnp.float32)
    # [N,5,4096] x [5,4096,32] -> [N,5,32]
    x_one_hot = jnp.einsum('bck,ckd->bcd', one_hot, LUT)
    return x_one_hot

if __name__ == "__main__":
    import jax
    _d = setup_inputs()
    print(jax.jit(kernel)(*tuple(_d.values())))

</pallas_src>

<mosaic_0001>
#map = affine_map<(d0, d1) -> (0, 0, 0)>
#map1 = affine_map<(d0, d1) -> (0, 0)>
#map2 = affine_map<(d0, d1) -> (0)>
module attributes {stable_mosaic.version = 14 : i64} {
  func.func @gather_k(%arg0: i32, %arg1: i32, %arg2: memref<32x10x128xi32, #tpu.memory_space<hbm>>, %arg3: memref<20480x128xf32, #tpu.memory_space<hbm>>, %arg4: memref<1310720xf32, #tpu.memory_space<hbm>>, %arg5: memref<10x128xi32, #tpu.memory_space<vmem>>, %arg6: memref<2x128x128xf32, #tpu.memory_space<vmem>>, %arg7: memref<8192xf32, #tpu.memory_space<vmem>>, %arg8: memref<!tpu.dma_semaphore, #tpu.memory_space<semaphore_mem>>, %arg9: memref<!tpu.dma_semaphore, #tpu.memory_space<semaphore_mem>>) attributes {dimension_semantics = [#tpu.dimension_semantics<core_parallel>, #tpu.dimension_semantics<subcore_parallel>], iteration_bounds = array<i64: 2, 16>, scalar_prefetch = 0 : i64, scratch_operands = 5 : i64, tpu.core_type = #tpu.core_type<sc_vector_subcore>, window_params = [{transform_indices = #map}, {transform_indices = #map1}, {transform_indices = #map2}]} {
    %mul3A = arith.constant 2 : i32
    %mul3A_0 = arith.muli %arg1, %mul3A : i32
    %add3A = arith.addi %mul3A_0, %arg0 : i32
    %mul3A_1 = arith.constant 1280 : i32
    %mul3A_2 = arith.muli %add3A, %mul3A_1 : i32
    "tpu.region"() ({
      %run_scoped3A = tpu.sem_alloc : memref<!tpu.dma_semaphore, #tpu.memory_space<semaphore_mem>>
      %dma_start3A_20 = arith.constant 0 : i32
      %dma_start3A_21 = arith.constant 0 : i32
      %dma_start3A_22 = tpu.memref_slice %arg2[%add3A, %dma_start3A_20, %dma_start3A_21] : memref<32x10x128xi32, #tpu.memory_space<hbm>> -> memref<1x10x128xi32, #tpu.memory_space<hbm>>
      %dma_start3A_23 = tpu.memref_squeeze %dma_start3A_22 : memref<1x10x128xi32, #tpu.memory_space<hbm>> -> memref<10x128xi32, #tpu.memory_space<hbm>>
      %dma_start3A_24 = arith.constant 0 : i32
      %dma_start3A_25 = arith.constant 0 : i32
      %dma_start3A_26 = tpu.memref_slice %arg2[%add3A, %dma_start3A_24, %dma_start3A_25] : memref<32x10x128xi32, #tpu.memory_space<hbm>> -> memref<1x10x128xi32, #tpu.memory_space<hbm>>
      %dma_start3A_27 = tpu.memref_squeeze %dma_start3A_26 : memref<1x10x128xi32, #tpu.memory_space<hbm>> -> memref<10x128xi32, #tpu.memory_space<hbm>>
      tpu.enqueue_dma source(%dma_start3A_27 : memref<10x128xi32, #tpu.memory_space<hbm>>) target(%arg5 : memref<10x128xi32, #tpu.memory_space<vmem>>) target_semaphore(%run_scoped3A : memref<!tpu.dma_semaphore, #tpu.memory_space<semaphore_mem>>)
      %dma_wait3A = arith.constant 0 : i32
      %dma_wait3A_28 = arith.constant 0 : i32
      %dma_wait3A_29 = tpu.memref_slice %arg2[%add3A, %dma_wait3A, %dma_wait3A_28] : memref<32x10x128xi32, #tpu.memory_space<hbm>> -> memref<1x10x128xi32, #tpu.memory_space<hbm>>
      %dma_wait3A_30 = tpu.memref_squeeze %dma_wait3A_29 : memref<1x10x128xi32, #tpu.memory_space<hbm>> -> memref<10x128xi32, #tpu.memory_space<hbm>>
      %dma_wait3A_31 = arith.constant 0 : i32
      %dma_wait3A_32 = arith.constant 0 : i32
      %dma_wait3A_33 = tpu.memref_slice %arg2[%add3A, %dma_wait3A_31, %dma_wait3A_32] : memref<32x10x128xi32, #tpu.memory_space<hbm>> -> memref<1x10x128xi32, #tpu.memory_space<hbm>>
      %dma_wait3A_34 = tpu.memref_squeeze %dma_wait3A_33 : memref<1x10x128xi32, #tpu.memory_space<hbm>> -> memref<10x128xi32, #tpu.memory_space<hbm>>
      tpu.wait_dma2 semaphore(%run_scoped3A : memref<!tpu.dma_semaphore, #tpu.memory_space<semaphore_mem>>) src(%dma_wait3A_34 : memref<10x128xi32, #tpu.memory_space<hbm>>) dst(%arg5 : memref<10x128xi32, #tpu.memory_space<vmem>>)
      tpu.yield
    }) : () -> ()
    %dma_start3A = arith.constant 0 : i32
    %dma_start3A_3 = arith.constant 0 : i32
    %dma_start3A_4 = arith.constant 0 : i32
    %dma_start3A_5 = arith.constant 0 : i32
    %dma_start3A_6 = tpu.memref_slice %arg6[%dma_start3A_3, %dma_start3A_4, %dma_start3A_5] : memref<2x128x128xf32, #tpu.memory_space<vmem>> -> memref<1x128x128xf32, #tpu.memory_space<vmem>>
    %dma_start3A_7 = tpu.memref_squeeze %dma_start3A_6 : memref<1x128x128xf32, #tpu.memory_space<vmem>> -> memref<128x128xf32, #tpu.memory_space<vmem>>
    %dma_start3A_8 = arith.constant 0 : i32
    %dma_start3A_9 = tpu.memref_slice %arg5[%dma_start3A, %dma_start3A_8] : memref<10x128xi32, #tpu.memory_space<vmem>> -> memref<1x128xi32, #tpu.memory_space<vmem>>
    %dma_start3A_10 = tpu.memref_squeeze %dma_start3A_9 : memref<1x128xi32, #tpu.memory_space<vmem>> -> memref<128xi32, #tpu.memory_space<vmem>>
    %dma_start3A_11 = arith.constant 0 : i32
    %dma_start3A_12 = arith.constant 0 : i32
    %dma_start3A_13 = tpu.memref_slice %arg3[%dma_start3A_11, %dma_start3A_12] : memref<20480x128xf32, #tpu.memory_space<hbm>> -> memref<20480x128xf32, #tpu.memory_space<hbm>>
    tpu.enqueue_indirect_dma source(%dma_start3A_13 : memref<20480x128xf32, #tpu.memory_space<hbm>>) target(%dma_start3A_7 : memref<128x128xf32, #tpu.memory_space<vmem>>) offsets(%dma_start3A_10 : memref<128xi32, #tpu.memory_space<vmem>>) semaphore(%arg8 : memref<!tpu.dma_semaphore, #tpu.memory_space<semaphore_mem>>)
    %scan3A = arith.constant 0 : i32
    %scan3A_14 = arith.constant 0 : i32
    %scan3A_15 = arith.constant 5 : i32
    %scan3A_16 = arith.addi %scan3A_14, %scan3A_15 : i32
    %scan3A_17 = arith.constant 1 : i32
    %scan3A_18 = scf.for %scan3A_20 = %scan3A_14 to %scan3A_16 step %scan3A_17 iter_args(%scan3A_21 = %scan3A) -> (i32)  : i32 {
      %mul3A_22 = arith.constant 2 : i32
      %mul3A_23 = arith.muli %scan3A_20, %mul3A_22 : i32
      %add3A_24 = arith.constant 0 : i32
      %add3A_25 = arith.addi %mul3A_23, %add3A_24 : i32
      %add3A_26 = arith.constant 1 : i32
      %add3A_27 = arith.addi %add3A_25, %add3A_26 : i32
      %lt3A = arith.constant 10 : i32
      %lt3A_28 = arith.cmpi slt, %add3A_27, %lt3A : i32
      %convert_element_type3A = arith.extui %lt3A_28 : i1 to i32
      %cond3A = arith.constant 0 : i32
      %cond3A_29 = arith.cmpi ne, %convert_element_type3A, %cond3A : i32
      scf.if %cond3A_29 {
        %add3A_86 = arith.constant 1 : i32
        %add3A_87 = arith.addi %add3A_25, %add3A_86 : i32
        %dma_start3A_88 = arith.constant 1 : i32
        %dma_start3A_89 = arith.constant 0 : i32
        %dma_start3A_90 = arith.constant 0 : i32
        %dma_start3A_91 = tpu.memref_slice %arg6[%dma_start3A_88, %dma_start3A_89, %dma_start3A_90] : memref<2x128x128xf32, #tpu.memory_space<vmem>> -> memref<1x128x128xf32, #tpu.memory_space<vmem>>
        %dma_start3A_92 = tpu.memref_squeeze %dma_start3A_91 : memref<1x128x128xf32, #tpu.memory_space<vmem>> -> memref<128x128xf32, #tpu.memory_space<vmem>>
        %dma_start3A_93 = arith.constant 0 : i32
        %dma_start3A_94 = tpu.memref_slice %arg5[%add3A_87, %dma_start3A_93] : memref<10x128xi32, #tpu.memory_space<vmem>> -> memref<1x128xi32, #tpu.memory_space<vmem>>
        %dma_start3A_95 = tpu.memref_squeeze %dma_start3A_94 : memref<1x128xi32, #tpu.memory_space<vmem>> -> memref<128xi32, #tpu.memory_space<vmem>>
        %dma_start3A_96 = arith.constant 0 : i32
        %dma_start3A_97 = arith.constant 0 : i32
        %dma_start3A_98 = tpu.memref_slice %arg3[%dma_start3A_96, %dma_start3A_97] : memref<20480x128xf32, #tpu.memory_space<hbm>> -> memref<20480x128xf32, #tpu.memory_space<hbm>>
        tpu.enqueue_indirect_dma source(%dma_start3A_98 : memref<20480x128xf32, #tpu.memory_space<hbm>>) target(%dma_start3A_92 : memref<128x128xf32, #tpu.memory_space<vmem>>) offsets(%dma_start3A_95 : memref<128xi32, #tpu.memory_space<vmem>>) semaphore(%arg9 : memref<!tpu.dma_semaphore, #tpu.memory_space<semaphore_mem>>)
      } else {
      }
      %dma_wait3A = arith.constant 0 : i32
      %dma_wait3A_30 = arith.constant 0 : i32
      %dma_wait3A_31 = arith.constant 0 : i32
      %dma_wait3A_32 = arith.constant 0 : i32
      %dma_wait3A_33 = tpu.memref_slice %arg6[%dma_wait3A_30, %dma_wait3A_31, %dma_wait3A_32] : memref<2x128x128xf32, #tpu.memory_space<vmem>> -> memref<1x128x128xf32, #tpu.memory_space<vmem>>
      %dma_wait3A_34 = tpu.memref_squeeze %dma_wait3A_33 : memref<1x128x128xf32, #tpu.memory_space<vmem>> -> memref<128x128xf32, #tpu.memory_space<vmem>>
      %dma_wait3A_35 = arith.constant 0 : i32
      %dma_wait3A_36 = tpu.memref_slice %arg5[%dma_wait3A, %dma_wait3A_35] : memref<10x128xi32, #tpu.memory_space<vmem>> -> memref<1x128xi32, #tpu.memory_space<vmem>>
      %dma_wait3A_37 = tpu.memref_squeeze %dma_wait3A_36 : memref<1x128xi32, #tpu.memory_space<vmem>> -> memref<128xi32, #tpu.memory_space<vmem>>
      %dma_wait3A_38 = arith.constant 0 : i32
      %dma_wait3A_39 = arith.constant 0 : i32
      %dma_wait3A_40 = tpu.memref_slice %arg3[%dma_wait3A_38, %dma_wait3A_39] : memref<20480x128xf32, #tpu.memory_space<hbm>> -> memref<20480x128xf32, #tpu.memory_space<hbm>>
      tpu.wait_indirect_dma semaphore(%arg8 : memref<!tpu.dma_semaphore, #tpu.memory_space<semaphore_mem>>) src(%dma_wait3A_40 : memref<20480x128xf32, #tpu.memory_space<hbm>>) dst(%dma_wait3A_34 : memref<128x128xf32, #tpu.memory_space<vmem>>)
      %scan3A_41 = arith.constant 0 : i32
      %scan3A_42 = arith.constant 0 : i32
      %scan3A_43 = arith.constant 32 : i32
      %scan3A_44 = arith.addi %scan3A_42, %scan3A_43 : i32
      %scan3A_45 = arith.constant 1 : i32
      %scan3A_46 = scf.for %scan3A_86 = %scan3A_42 to %scan3A_44 step %scan3A_45 iter_args(%scan3A_87 = %scan3A_41) -> (i32)  : i32 {
        %mul3A_88 = arith.constant 4 : i32
        %mul3A_89 = arith.muli %scan3A_86, %mul3A_88 : i32
        %add3A_90 = arith.constant 0 : i32
        %add3A_91 = arith.addi %mul3A_89, %add3A_90 : i32
        %add3A_92 = arith.constant 0 : i32
        %add3A_93 = arith.addi %add3A_92, %add3A_91 : i32
        %mul3A_94 = arith.constant 32 : i32
        %mul3A_95 = arith.muli %add3A_93, %mul3A_94 : i32
        %get3A = arith.constant 0 : i32
        %get3A_96 = arith.index_cast %get3A : i32 to index
        %get3A_97 = arith.index_cast %add3A_91 : i32 to index
        %get3A_98 = arith.constant 0 : index
        %get3A_99 = tpu.vector_load %arg6[%get3A_96, %get3A_97, %get3A_98] {strides = array<i32>} : memref<2x128x128xf32, #tpu.memory_space<vmem>>, vector<1x1x16xf32>,
        %get3A_100 = vector.shape_cast %get3A_99 : vector<1x1x16xf32> to vector<16xf32>
        %swap3A = arith.index_cast %mul3A_95 : i32 to index
        %swap3A_101 = tpu.vector_load %arg7[%swap3A] {strides = array<i32>} : memref<8192xf32, #tpu.memory_space<vmem>>, vector<16xf32>,
        %swap3A_102 = vector.shape_cast %swap3A_101 : vector<16xf32> to vector<16xf32>
        %swap3A_103 = vector.shape_cast %get3A_100 : vector<16xf32> to vector<16xf32>
        tpu.vector_store %arg7[%swap3A], %swap3A_103 {strides = array<i32>} : memref<8192xf32, #tpu.memory_space<vmem>>, vector<16xf32>,
        %get3A_104 = arith.constant 0 : i32
        %get3A_105 = arith.index_cast %get3A_104 : i32 to index
        %get3A_106 = arith.index_cast %add3A_91 : i32 to index
        %get3A_107 = arith.constant 16 : index
        %get3A_108 = tpu.vector_load %arg6[%get3A_105, %get3A_106, %get3A_107] {strides = array<i32>} : memref<2x128x128xf32, #tpu.memory_space<vmem>>, vector<1x1x16xf32>,
        %get3A_109 = vector.shape_cast %get3A_108 : vector<1x1x16xf32> to vector<16xf32>
        %add3A_110 = arith.constant 16 : i32
        %add3A_111 = arith.addi %mul3A_95, %add3A_110 : i32
        %swap3A_112 = arith.index_cast %add3A_111 : i32 to index
        %swap3A_113 = tpu.vector_load %arg7[%swap3A_112] {strides = array<i32>} : memref<8192xf32, #tpu.memory_space<vmem>>, vector<16xf32>,
        %swap3A_114 = vector.shape_cast %swap3A_113 : vector<16xf32> to vector<16xf32>
        %swap3A_115 = vector.shape_cast %get3A_109 : vector<16xf32> to vector<16xf32>
        tpu.vector_store %arg7[%swap3A_112], %swap3A_115 {strides = array<i32>} : memref<8192xf32, #tpu.memory_space<vmem>>, vector<16xf32>,
        %mul3A_116 = arith.constant 4 : i32
        %mul3A_117 = arith.muli %scan3A_86, %mul3A_116 : i32
        %add3A_118 = arith.constant 1 : i32
        %add3A_119 = arith.addi %mul3A_117, %add3A_118 : i32
        %add3A_120 = arith.constant 0 : i32
        %add3A_121 = arith.addi %add3A_120, %add3A_119 : i32
        %mul3A_122 = arith.constant 32 : i32
        %mul3A_123 = arith.muli %add3A_121, %mul3A_122 : i32
        %get3A_124 = arith.constant 0 : i32
        %get3A_125 = arith.index_cast %get3A_124 : i32 to index
        %get3A_126 = arith.index_cast %add3A_119 : i32 to index
        %get3A_127 = arith.constant 0 : index
        %get3A_128 = tpu.vector_load %arg6[%get3A_125, %get3A_126, %get3A_127] {strides = array<i32>} : memref<2x128x128xf32, #tpu.memory_space<vmem>>, vector<1x1x16xf32>,
        %get3A_129 = vector.shape_cast %get3A_128 : vector<1x1x16xf32> to vector<16xf32>
        %swap3A_130 = arith.index_cast %mul3A_123 : i32 to index
        %swap3A_131 = tpu.vector_load %arg7[%swap3A_130] {strides = array<i32>} : memref<8192xf32, #tpu.memory_space<vmem>>, vector<16xf32>,
        %swap3A_132 = vector.shape_cast %swap3A_131 : vector<16xf32> to vector<16xf32>
        %swap3A_133 = vector.shape_cast %get3A_129 : vector<16xf32> to vector<16xf32>
        tpu.vector_store %arg7[%swap3A_130], %swap3A_133 {strides = array<i32>} : memref<8192xf32, #tpu.memory_space<vmem>>, vector<16xf32>,
        %get3A_134 = arith.constant 0 : i32
        %get3A_135 = arith.index_cast %get3A_134 : i32 to index
        %get3A_136 = arith.index_cast %add3A_119 : i32 to index
        %get3A_137 = arith.constant 16 : index
        %get3A_138 = tpu.vector_load %arg6[%get3A_135, %get3A_136, %get3A_137] {strides = array<i32>} : memref<2x128x128xf32, #tpu.memory_space<vmem>>, vector<1x1x16xf32>,
        %get3A_139 = vector.shape_cast %get3A_138 : vector<1x1x16xf32> to vector<16xf32>
        %add3A_140 = arith.constant 16 : i32
        %add3A_141 = arith.addi %mul3A_123, %add3A_140 : i32
        %swap3A_142 = arith.index_cast %add3A_141 : i32 to index
        %swap3A_143 = tpu.vector_load %arg7[%swap3A_142] {strides = array<i32>} : memref<8192xf32, #tpu.memory_space<vmem>>, vector<16xf32>,
        %swap3A_144 = vector.shape_cast %swap3A_143 : vector<16xf32> to vector<16xf32>
        %swap3A_145 = vector.shape_cast %get3A_139 : vector<16xf32> to vector<16xf32>
        tpu.vector_store %arg7[%swap3A_142], %swap3A_145 {strides = array<i32>} : memref<8192xf32, #tpu.memory_space<vmem>>, vector<16xf32>,
        %mul3A_146 = arith.constant 4 : i32
        %mul3A_147 = arith.muli %scan3A_86, %mul3A_146 : i32
        %add3A_148 = arith.constant 2 : i32
        %add3A_149 = arith.addi %mul3A_147, %add3A_148 : i32
        %add3A_150 = arith.constant 0 : i32
        %add3A_151 = arith.addi %add3A_150, %add3A_149 : i32
        %mul3A_152 = arith.constant 32 : i32
        %mul3A_153 = arith.muli %add3A_151, %mul3A_152 : i32
        %get3A_154 = arith.constant 0 : i32
        %get3A_155 = arith.index_cast %get3A_154 : i32 to index
        %get3A_156 = arith.index_cast %add3A_149 : i32 to index
        %get3A_157 = arith.constant 0 : index
        %get3A_158 = tpu.vector_load %arg6[%get3A_155, %get3A_156, %get3A_157] {strides = array<i32>} : memref<2x128x128xf32, #tpu.memory_space<vmem>>, vector<1x1x16xf32>,
        %get3A_159 = vector.shape_cast %get3A_158 : vector<1x1x16xf32> to vector<16xf32>
        %swap3A_160 = arith.index_cast %mul3A_153 : i32 to index
        %swap3A_161 = tpu.vector_load %arg7[%swap3A_160] {strides = array<i32>} : memref<8192xf32, #tpu.memory_space<vmem>>, vector<16xf32>,
        %swap3A_162 = vector.shape_cast %swap3A_161 : vector<16xf32> to vector<16xf32>
        %swap3A_163 = vector.shape_cast %get3A_159 : vector<16xf32> to vector<16xf32>
        tpu.vector_store %arg7[%swap3A_160], %swap3A_163 {strides = array<i32>} : memref<8192xf32, #tpu.memory_space<vmem>>, vector<16xf32>,
        %get3A_164 = arith.constant 0 : i32
        %get3A_165 = arith.index_cast %get3A_164 : i32 to index
        %get3A_166 = arith.index_cast %add3A_149 : i32 to index
        %get3A_167 = arith.constant 16 : index
        %get3A_168 = tpu.vector_load %arg6[%get3A_165, %get3A_166, %get3A_167] {strides = array<i32>} : memref<2x128x128xf32, #tpu.memory_space<vmem>>, vector<1x1x16xf32>,
        %get3A_169 = vector.shape_cast %get3A_168 : vector<1x1x16xf32> to vector<16xf32>
        %add3A_170 = arith.constant 16 : i32
        %add3A_171 = arith.addi %mul3A_153, %add3A_170 : i32
        %swap3A_172 = arith.index_cast %add3A_171 : i32 to index
        %swap3A_173 = tpu.vector_load %arg7[%swap3A_172] {strides = array<i32>} : memref<8192xf32, #tpu.memory_space<vmem>>, vector<16xf32>,
        %swap3A_174 = vector.shape_cast %swap3A_173 : vector<16xf32> to vector<16xf32>
        %swap3A_175 = vector.shape_cast %get3A_169 : vector<16xf32> to vector<16xf32>
        tpu.vector_store %arg7[%swap3A_172], %swap3A_175 {strides = array<i32>} : memref<8192xf32, #tpu.memory_space<vmem>>, vector<16xf32>,
        %mul3A_176 = arith.constant 4 : i32
        %mul3A_177 = arith.muli %scan3A_86, %mul3A_176 : i32
        %add3A_178 = arith.constant 3 : i32
        %add3A_179 = arith.addi %mul3A_177, %add3A_178 : i32
        %add3A_180 = arith.constant 0 : i32
        %add3A_181 = arith.addi %add3A_180, %add3A_179 : i32
        %mul3A_182 = arith.constant 32 : i32
        %mul3A_183 = arith.muli %add3A_181, %mul3A_182 : i32
        %get3A_184 = arith.constant 0 : i32
        %get3A_185 = arith.index_cast %get3A_184 : i32 to index
        %get3A_186 = arith.index_cast %add3A_179 : i32 to index
        %get3A_187 = arith.constant 0 : index
        %get3A_188 = tpu.vector_load %arg6[%get3A_185, %get3A_186, %get3A_187] {strides = array<i32>} : memref<2x128x128xf32, #tpu.memory_space<vmem>>, vector<1x1x16xf32>,
        %get3A_189 = vector.shape_cast %get3A_188 : vector<1x1x16xf32> to vector<16xf32>
        %swap3A_190 = arith.index_cast %mul3A_183 : i32 to index
        %swap3A_191 = tpu.vector_load %arg7[%swap3A_190] {strides = array<i32>} : memref<8192xf32, #tpu.memory_space<vmem>>, vector<16xf32>,
        %swap3A_192 = vector.shape_cast %swap3A_191 : vector<16xf32> to vector<16xf32>
        %swap3A_193 = vector.shape_cast %get3A_189 : vector<16xf32> to vector<16xf32>
        tpu.vector_store %arg7[%swap3A_190], %swap3A_193 {strides = array<i32>} : memref<8192xf32, #tpu.memory_space<vmem>>, vector<16xf32>,
        %get3A_194 = arith.constant 0 : i32
        %get3A_195 = arith.index_cast %get3A_194 : i32 to index
        %get3A_196 = arith.index_cast %add3A_179 : i32 to index
        %get3A_197 = arith.constant 16 : index
        %get3A_198 = tpu.vector_load %arg6[%get3A_195, %get3A_196, %get3A_197] {strides = array<i32>} : memref<2x128x128xf32, #tpu.memory_space<vmem>>, vector<1x1x16xf32>,
        %get3A_199 = vector.shape_cast %get3A_198 : vector<1x1x16xf32> to vector<16xf32>
        %add3A_200 = arith.constant 16 : i32
        %add3A_201 = arith.addi %mul3A_183, %add3A_200 : i32
        %swap3A_202 = arith.index_cast %add3A_201 : i32 to index
        %swap3A_203 = tpu.vector_load %arg7[%swap3A_202] {strides = array<i32>} : memref<8192xf32, #tpu.memory_space<vmem>>, vector<16xf32>,
        %swap3A_204 = vector.shape_cast %swap3A_203 : vector<16xf32> to vector<16xf32>
        %swap3A_205 = vector.shape_cast %get3A_199 : vector<16xf32> to vector<16xf32>
        tpu.vector_store %arg7[%swap3A_202], %swap3A_205 {strides = array<i32>} : memref<8192xf32, #tpu.memory_space<vmem>>, vector<16xf32>,
        %scan3A_206 = arith.constant 0 : i32
        scf.yield %scan3A_206 : i32
      }
      %scan3A_47 = arith.constant 32 : i32
      %mul3A_48 = arith.constant 2 : i32
      %mul3A_49 = arith.muli %scan3A_20, %mul3A_48 : i32
      %add3A_50 = arith.constant 1 : i32
      %add3A_51 = arith.addi %mul3A_49, %add3A_50 : i32
      %add3A_52 = arith.constant 1 : i32
      %add3A_53 = arith.addi %add3A_51, %add3A_52 : i32
      %lt3A_54 = arith.constant 10 : i32
      %lt3A_55 = arith.cmpi slt, %add3A_53, %lt3A_54 : i32
      %convert_element_type3A_56 = arith.extui %lt3A_55 : i1 to i32
      %cond3A_57 = arith.constant 0 : i32
      %cond3A_58 = arith.cmpi ne, %convert_element_type3A_56, %cond3A_57 : i32
      scf.if %cond3A_58 {
        %add3A_86 = arith.constant 1 : i32
        %add3A_87 = arith.addi %add3A_51, %add3A_86 : i32
        %dma_start3A_88 = arith.constant 0 : i32
        %dma_start3A_89 = arith.constant 0 : i32
        %dma_start3A_90 = arith.constant 0 : i32
        %dma_start3A_91 = tpu.memref_slice %arg6[%dma_start3A_88, %dma_start3A_89, %dma_start3A_90] : memref<2x128x128xf32, #tpu.memory_space<vmem>> -> memref<1x128x128xf32, #tpu.memory_space<vmem>>
        %dma_start3A_92 = tpu.memref_squeeze %dma_start3A_91 : memref<1x128x128xf32, #tpu.memory_space<vmem>> -> memref<128x128xf32, #tpu.memory_space<vmem>>
        %dma_start3A_93 = arith.constant 0 : i32
        %dma_start3A_94 = tpu.memref_slice %arg5[%add3A_87, %dma_start3A_93] : memref<10x128xi32, #tpu.memory_space<vmem>> -> memref<1x128xi32, #tpu.memory_space<vmem>>
        %dma_start3A_95 = tpu.memref_squeeze %dma_start3A_94 : memref<1x128xi32, #tpu.memory_space<vmem>> -> memref<128xi32, #tpu.memory_space<vmem>>
        %dma_start3A_96 = arith.constant 0 : i32
        %dma_start3A_97 = arith.constant 0 : i32
        %dma_start3A_98 = tpu.memref_slice %arg3[%dma_start3A_96, %dma_start3A_97] : memref<20480x128xf32, #tpu.memory_space<hbm>> -> memref<20480x128xf32, #tpu.memory_space<hbm>>
        tpu.enqueue_indirect_dma source(%dma_start3A_98 : memref<20480x128xf32, #tpu.memory_space<hbm>>) target(%dma_start3A_92 : memref<128x128xf32, #tpu.memory_space<vmem>>) offsets(%dma_start3A_95 : memref<128xi32, #tpu.memory_space<vmem>>) semaphore(%arg8 : memref<!tpu.dma_semaphore, #tpu.memory_space<semaphore_mem>>)
      } else {
      }
      %dma_wait3A_59 = arith.constant 0 : i32
      %dma_wait3A_60 = arith.constant 1 : i32
      %dma_wait3A_61 = arith.constant 0 : i32
      %dma_wait3A_62 = arith.constant 0 : i32
      %dma_wait3A_63 = tpu.memref_slice %arg6[%dma_wait3A_60, %dma_wait3A_61, %dma_wait3A_62] : memref<2x128x128xf32, #tpu.memory_space<vmem>> -> memref<1x128x128xf32, #tpu.memory_space<vmem>>
      %dma_wait3A_64 = tpu.memref_squeeze %dma_wait3A_63 : memref<1x128x128xf32, #tpu.memory_space<vmem>> -> memref<128x128xf32, #tpu.memory_space<vmem>>
      %dma_wait3A_65 = arith.constant 0 : i32
      %dma_wait3A_66 = tpu.memref_slice %arg5[%dma_wait3A_59, %dma_wait3A_65] : memref<10x128xi32, #tpu.memory_space<vmem>> -> memref<1x128xi32, #tpu.memory_space<vmem>>
      %dma_wait3A_67 = tpu.memref_squeeze %dma_wait3A_66 : memref<1x128xi32, #tpu.memory_space<vmem>> -> memref<128xi32, #tpu.memory_space<vmem>>
      %dma_wait3A_68 = arith.constant 0 : i32
      %dma_wait3A_69 = arith.constant 0 : i32
      %dma_wait3A_70 = tpu.memref_slice %arg3[%dma_wait3A_68, %dma_wait3A_69] : memref<20480x128xf32, #tpu.memory_space<hbm>> -> memref<20480x128xf32, #tpu.memory_space<hbm>>
      tpu.wait_indirect_dma semaphore(%arg9 : memref<!tpu.dma_semaphore, #tpu.memory_space<semaphore_mem>>) src(%dma_wait3A_70 : memref<20480x128xf32, #tpu.memory_space<hbm>>) dst(%dma_wait3A_64 : memref<128x128xf32, #tpu.memory_space<vmem>>)
      %scan3A_71 = arith.constant 0 : i32
      %scan3A_72 = arith.constant 0 : i32
      %scan3A_73 = arith.constant 32 : i32
      %scan3A_74 = arith.addi %scan3A_72, %scan3A_73 : i32
      %scan3A_75 = arith.constant 1 : i32
      %scan3A_76 = scf.for %scan3A_86 = %scan3A_72 to %scan3A_74 step %scan3A_75 iter_args(%scan3A_87 = %scan3A_71) -> (i32)  : i32 {
        %mul3A_88 = arith.constant 4 : i32
        %mul3A_89 = arith.muli %scan3A_86, %mul3A_88 : i32
        %add3A_90 = arith.constant 0 : i32
        %add3A_91 = arith.addi %mul3A_89, %add3A_90 : i32
        %add3A_92 = arith.constant 128 : i32
        %add3A_93 = arith.addi %add3A_92, %add3A_91 : i32
        %mul3A_94 = arith.constant 32 : i32
        %mul3A_95 = arith.muli %add3A_93, %mul3A_94 : i32
        %get3A = arith.constant 1 : i32
        %get3A_96 = arith.index_cast %get3A : i32 to index
        %get3A_97 = arith.index_cast %add3A_91 : i32 to index
        %get3A_98 = arith.constant 0 : index
        %get3A_99 = tpu.vector_load %arg6[%get3A_96, %get3A_97, %get3A_98] {strides = array<i32>} : memref<2x128x128xf32, #tpu.memory_space<vmem>>, vector<1x1x16xf32>,
        %get3A_100 = vector.shape_cast %get3A_99 : vector<1x1x16xf32> to vector<16xf32>
        %swap3A = arith.index_cast %mul3A_95 : i32 to index
        %swap3A_101 = tpu.vector_load %arg7[%swap3A] {strides = array<i32>} : memref<8192xf32, #tpu.memory_space<vmem>>, vector<16xf32>,
        %swap3A_102 = vector.shape_cast %swap3A_101 : vector<16xf32> to vector<16xf32>
        %swap3A_103 = vector.shape_cast %get3A_100 : vector<16xf32> to vector<16xf32>
        tpu.vector_store %arg7[%swap3A], %swap3A_103 {strides = array<i32>} : memref<8192xf32, #tpu.memory_space<vmem>>, vector<16xf32>,
        %get3A_104 = arith.constant 1 : i32
        %get3A_105 = arith.index_cast %get3A_104 : i32 to index
        %get3A_106 = arith.index_cast %add3A_91 : i32 to index
        %get3A_107 = arith.constant 16 : index
        %get3A_108 = tpu.vector_load %arg6[%get3A_105, %get3A_106, %get3A_107] {strides = array<i32>} : memref<2x128x128xf32, #tpu.memory_space<vmem>>, vector<1x1x16xf32>,
        %get3A_109 = vector.shape_cast %get3A_108 : vector<1x1x16xf32> to vector<16xf32>
        %add3A_110 = arith.constant 16 : i32
        %add3A_111 = arith.addi %mul3A_95, %add3A_110 : i32
        %swap3A_112 = arith.index_cast %add3A_111 : i32 to index
        %swap3A_113 = tpu.vector_load %arg7[%swap3A_112] {strides = array<i32>} : memref<8192xf32, #tpu.memory_space<vmem>>, vector<16xf32>,
        %swap3A_114 = vector.shape_cast %swap3A_113 : vector<16xf32> to vector<16xf32>
        %swap3A_115 = vector.shape_cast %get3A_109 : vector<16xf32> to vector<16xf32>
        tpu.vector_store %arg7[%swap3A_112], %swap3A_115 {strides = array<i32>} : memref<8192xf32, #tpu.memory_space<vmem>>, vector<16xf32>,
        %mul3A_116 = arith.constant 4 : i32
        %mul3A_117 = arith.muli %scan3A_86, %mul3A_116 : i32
        %add3A_118 = arith.constant 1 : i32
        %add3A_119 = arith.addi %mul3A_117, %add3A_118 : i32
        %add3A_120 = arith.constant 128 : i32
        %add3A_121 = arith.addi %add3A_120, %add3A_119 : i32
        %mul3A_122 = arith.constant 32 : i32
        %mul3A_123 = arith.muli %add3A_121, %mul3A_122 : i32
        %get3A_124 = arith.constant 1 : i32
        %get3A_125 = arith.index_cast %get3A_124 : i32 to index
        %get3A_126 = arith.index_cast %add3A_119 : i32 to index
        %get3A_127 = arith.constant 0 : index
        %get3A_128 = tpu.vector_load %arg6[%get3A_125, %get3A_126, %get3A_127] {strides = array<i32>} : memref<2x128x128xf32, #tpu.memory_space<vmem>>, vector<1x1x16xf32>,
        %get3A_129 = vector.shape_cast %get3A_128 : vector<1x1x16xf32> to vector<16xf32>
        %swap3A_130 = arith.index_cast %mul3A_123 : i32 to index
        %swap3A_131 = tpu.vector_load %arg7[%swap3A_130] {strides = array<i32>} : memref<8192xf32, #tpu.memory_space<vmem>>, vector<16xf32>,
        %swap3A_132 = vector.shape_cast %swap3A_131 : vector<16xf32> to vector<16xf32>
        %swap3A_133 = vector.shape_cast %get3A_129 : vector<16xf32> to vector<16xf32>
        tpu.vector_store %arg7[%swap3A_130], %swap3A_133 {strides = array<i32>} : memref<8192xf32, #tpu.memory_space<vmem>>, vector<16xf32>,
        %get3A_134 = arith.constant 1 : i32
        %get3A_135 = arith.index_cast %get3A_134 : i32 to index
        %get3A_136 = arith.index_cast %add3A_119 : i32 to index
        %get3A_137 = arith.constant 16 : index
        %get3A_138 = tpu.vector_load %arg6[%get3A_135, %get3A_136, %get3A_137] {strides = array<i32>} : memref<2x128x128xf32, #tpu.memory_space<vmem>>, vector<1x1x16xf32>,
        %get3A_139 = vector.shape_cast %get3A_138 : vector<1x1x16xf32> to vector<16xf32>
        %add3A_140 = arith.constant 16 : i32
        %add3A_141 = arith.addi %mul3A_123, %add3A_140 : i32
        %swap3A_142 = arith.index_cast %add3A_141 : i32 to index
        %swap3A_143 = tpu.vector_load %arg7[%swap3A_142] {strides = array<i32>} : memref<8192xf32, #tpu.memory_space<vmem>>, vector<16xf32>,
        %swap3A_144 = vector.shape_cast %swap3A_143 : vector<16xf32> to vector<16xf32>
        %swap3A_145 = vector.shape_cast %get3A_139 : vector<16xf32> to vector<16xf32>
        tpu.vector_store %arg7[%swap3A_142], %swap3A_145 {strides = array<i32>} : memref<8192xf32, #tpu.memory_space<vmem>>, vector<16xf32>,
        %mul3A_146 = arith.constant 4 : i32
        %mul3A_147 = arith.muli %scan3A_86, %mul3A_146 : i32
        %add3A_148 = arith.constant 2 : i32
        %add3A_149 = arith.addi %mul3A_147, %add3A_148 : i32
        %add3A_150 = arith.constant 128 : i32
        %add3A_151 = arith.addi %add3A_150, %add3A_149 : i32
        %mul3A_152 = arith.constant 32 : i32
        %mul3A_153 = arith.muli %add3A_151, %mul3A_152 : i32
        %get3A_154 = arith.constant 1 : i32
        %get3A_155 = arith.index_cast %get3A_154 : i32 to index
        %get3A_156 = arith.index_cast %add3A_149 : i32 to index
        %get3A_157 = arith.constant 0 : index
        %get3A_158 = tpu.vector_load %arg6[%get3A_155, %get3A_156, %get3A_157] {strides = array<i32>} : memref<2x128x128xf32, #tpu.memory_space<vmem>>, vector<1x1x16xf32>,
        %get3A_159 = vector.shape_cast %get3A_158 : vector<1x1x16xf32> to vector<16xf32>
        %swap3A_160 = arith.index_cast %mul3A_153 : i32 to index
        %swap3A_161 = tpu.vector_load %arg7[%swap3A_160] {strides = array<i32>} : memref<8192xf32, #tpu.memory_space<vmem>>, vector<16xf32>,
        %swap3A_162 = vector.shape_cast %swap3A_161 : vector<16xf32> to vector<16xf32>
        %swap3A_163 = vector.shape_cast %get3A_159 : vector<16xf32> to vector<16xf32>
        tpu.vector_store %arg7[%swap3A_160], %swap3A_163 {strides = array<i32>} : memref<8192xf32, #tpu.memory_space<vmem>>, vector<16xf32>,
        %get3A_164 = arith.constant 1 : i32
        %get3A_165 = arith.index_cast %get3A_164 : i32 to index
        %get3A_166 = arith.index_cast %add3A_149 : i32 to index
        %get3A_167 = arith.constant 16 : index
        %get3A_168 = tpu.vector_load %arg6[%get3A_165, %get3A_166, %get3A_167] {strides = array<i32>} : memref<2x128x128xf32, #tpu.memory_space<vmem>>, vector<1x1x16xf32>,
        %get3A_169 = vector.shape_cast %get3A_168 : vector<1x1x16xf32> to vector<16xf32>
        %add3A_170 = arith.constant 16 : i32
        %add3A_171 = arith.addi %mul3A_153, %add3A_170 : i32
        %swap3A_172 = arith.index_cast %add3A_171 : i32 to index
        %swap3A_173 = tpu.vector_load %arg7[%swap3A_172] {strides = array<i32>} : memref<8192xf32, #tpu.memory_space<vmem>>, vector<16xf32>,
        %swap3A_174 = vector.shape_cast %swap3A_173 : vector<16xf32> to vector<16xf32>
        %swap3A_175 = vector.shape_cast %get3A_169 : vector<16xf32> to vector<16xf32>
        tpu.vector_store %arg7[%swap3A_172], %swap3A_175 {strides = array<i32>} : memref<8192xf32, #tpu.memory_space<vmem>>, vector<16xf32>,
        %mul3A_176 = arith.constant 4 : i32
        %mul3A_177 = arith.muli %scan3A_86, %mul3A_176 : i32
        %add3A_178 = arith.constant 3 : i32
        %add3A_179 = arith.addi %mul3A_177, %add3A_178 : i32
        %add3A_180 = arith.constant 128 : i32
        %add3A_181 = arith.addi %add3A_180, %add3A_179 : i32
        %mul3A_182 = arith.constant 32 : i32
        %mul3A_183 = arith.muli %add3A_181, %mul3A_182 : i32
        %get3A_184 = arith.constant 1 : i32
        %get3A_185 = arith.index_cast %get3A_184 : i32 to index
        %get3A_186 = arith.index_cast %add3A_179 : i32 to index
        %get3A_187 = arith.constant 0 : index
        %get3A_188 = tpu.vector_load %arg6[%get3A_185, %get3A_186, %get3A_187] {strides = array<i32>} : memref<2x128x128xf32, #tpu.memory_space<vmem>>, vector<1x1x16xf32>,
        %get3A_189 = vector.shape_cast %get3A_188 : vector<1x1x16xf32> to vector<16xf32>
        %swap3A_190 = arith.index_cast %mul3A_183 : i32 to index
        %swap3A_191 = tpu.vector_load %arg7[%swap3A_190] {strides = array<i32>} : memref<8192xf32, #tpu.memory_space<vmem>>, vector<16xf32>,
        %swap3A_192 = vector.shape_cast %swap3A_191 : vector<16xf32> to vector<16xf32>
        %swap3A_193 = vector.shape_cast %get3A_189 : vector<16xf32> to vector<16xf32>
        tpu.vector_store %arg7[%swap3A_190], %swap3A_193 {strides = array<i32>} : memref<8192xf32, #tpu.memory_space<vmem>>, vector<16xf32>,
        %get3A_194 = arith.constant 1 : i32
        %get3A_195 = arith.index_cast %get3A_194 : i32 to index
        %get3A_196 = arith.index_cast %add3A_179 : i32 to index
        %get3A_197 = arith.constant 16 : index
        %get3A_198 = tpu.vector_load %arg6[%get3A_195, %get3A_196, %get3A_197] {strides = array<i32>} : memref<2x128x128xf32, #tpu.memory_space<vmem>>, vector<1x1x16xf32>,
        %get3A_199 = vector.shape_cast %get3A_198 : vector<1x1x16xf32> to vector<16xf32>
        %add3A_200 = arith.constant 16 : i32
        %add3A_201 = arith.addi %mul3A_183, %add3A_200 : i32
        %swap3A_202 = arith.index_cast %add3A_201 : i32 to index
        %swap3A_203 = tpu.vector_load %arg7[%swap3A_202] {strides = array<i32>} : memref<8192xf32, #tpu.memory_space<vmem>>, vector<16xf32>,
        %swap3A_204 = vector.shape_cast %swap3A_203 : vector<16xf32> to vector<16xf32>
        %swap3A_205 = vector.shape_cast %get3A_199 : vector<16xf32> to vector<16xf32>
        tpu.vector_store %arg7[%swap3A_202], %swap3A_205 {strides = array<i32>} : memref<8192xf32, #tpu.memory_space<vmem>>, vector<16xf32>,
        %scan3A_206 = arith.constant 0 : i32
        scf.yield %scan3A_206 : i32
      }
      %scan3A_77 = arith.constant 32 : i32
      %mul3A_78 = arith.constant 2 : i32
      %mul3A_79 = arith.muli %scan3A_20, %mul3A_78 : i32
      %mul3A_80 = arith.constant 128 : i32
      %mul3A_81 = arith.muli %mul3A_79, %mul3A_80 : i32
      %add3A_82 = arith.addi %mul3A_2, %mul3A_81 : i32
      %mul3A_83 = arith.constant 32 : i32
      %mul3A_84 = arith.muli %add3A_82, %mul3A_83 : i32
      "tpu.region"() ({
        %run_scoped3A = tpu.sem_alloc : memref<!tpu.dma_semaphore, #tpu.memory_space<semaphore_mem>>
        %dma_start3A_86 = tpu.memref_slice %arg4[%mul3A_84] : memref<1310720xf32, #tpu.memory_space<hbm>> -> memref<8192xf32, #tpu.memory_space<hbm>>
        %dma_start3A_87 = tpu.memref_slice %arg4[%mul3A_84] : memref<1310720xf32, #tpu.memory_space<hbm>> -> memref<8192xf32, #tpu.memory_space<hbm>>
        tpu.enqueue_dma source(%arg7 : memref<8192xf32, #tpu.memory_space<vmem>>) target(%dma_start3A_87 : memref<8192xf32, #tpu.memory_space<hbm>>) target_semaphore(%run_scoped3A : memref<!tpu.dma_semaphore, #tpu.memory_space<semaphore_mem>>)
        %dma_wait3A_88 = tpu.memref_slice %arg4[%mul3A_84] : memref<1310720xf32, #tpu.memory_space<hbm>> -> memref<8192xf32, #tpu.memory_space<hbm>>
        %dma_wait3A_89 = tpu.memref_slice %arg4[%mul3A_84] : memref<1310720xf32, #tpu.memory_space<hbm>> -> memref<8192xf32, #tpu.memory_space<hbm>>
        tpu.wait_dma2 semaphore(%run_scoped3A : memref<!tpu.dma_semaphore, #tpu.memory_space<semaphore_mem>>) src(%arg7 : memref<8192xf32, #tpu.memory_space<vmem>>) dst(%dma_wait3A_89 : memref<8192xf32, #tpu.memory_space<hbm>>)
        tpu.yield
      }) : () -> ()
      %scan3A_85 = arith.constant 0 : i32
      scf.yield %scan3A_85 : i32
    }
    %scan3A_19 = arith.constant 5 : i32
    return
  }
}

#map = affine_map<(d0, d1) -> (0, 0, 0)>
#map1 = affine_map<(d0, d1) -> (0, 0)>
#map2 = affine_map<(d0, d1) -> (0)>
module attributes {stable_mosaic.version = 14 : i64} {
  func.func @gather_k(%arg0: i32, %arg1: i32, %arg2: memref<32x10x128xi32, #tpu.memory_space<hbm>>, %arg3: memref<20480x128xf32, #tpu.memory_space<hbm>>, %arg4: memref<1310720xf32, #tpu.memory_space<hbm>>, %arg5: memref<10x128xi32, #tpu.memory_space<vmem>>, %arg6: memref<2x128x128xf32, #tpu.memory_space<vmem>>, %arg7: memref<8192xf32, #tpu.memory_space<vmem>>, %arg8: memref<!tpu.dma_semaphore, #tpu.memory_space<semaphore_mem>>, %arg9: memref<!tpu.dma_semaphore, #tpu.memory_space<semaphore_mem>>) attributes {dimension_semantics = [#tpu.dimension_semantics<core_parallel>, #tpu.dimension_semantics<subcore_parallel>], iteration_bounds = array<i64: 2, 16>, scalar_prefetch = 0 : i64, scratch_operands = 5 : i64, tpu.core_type = #tpu.core_type<sc_vector_subcore>, window_params = [{transform_indices = #map}, {transform_indices = #map1}, {transform_indices = #map2}]} {
    %mul3A = arith.constant 2 : i32
    %mul3A_0 = arith.muli %arg1, %mul3A : i32
    %add3A = arith.addi %mul3A_0, %arg0 : i32
    %mul3A_1 = arith.constant 1280 : i32
    %mul3A_2 = arith.muli %add3A, %mul3A_1 : i32
    "tpu.region"() ({
      %run_scoped3A = tpu.sem_alloc : memref<!tpu.dma_semaphore, #tpu.memory_space<semaphore_mem>>
      %dma_start3A_20 = arith.constant 0 : i32
      %dma_start3A_21 = arith.constant 0 : i32
      %dma_start3A_22 = tpu.memref_slice %arg2[%add3A, %dma_start3A_20, %dma_start3A_21] : memref<32x10x128xi32, #tpu.memory_space<hbm>> -> memref<1x10x128xi32, #tpu.memory_space<hbm>>
      %dma_start3A_23 = tpu.memref_squeeze %dma_start3A_22 : memref<1x10x128xi32, #tpu.memory_space<hbm>> -> memref<10x128xi32, #tpu.memory_space<hbm>>
      %dma_start3A_24 = arith.constant 0 : i32
      %dma_start3A_25 = arith.constant 0 : i32
      %dma_start3A_26 = tpu.memref_slice %arg2[%add3A, %dma_start3A_24, %dma_start3A_25] : memref<32x10x128xi32, #tpu.memory_space<hbm>> -> memref<1x10x128xi32, #tpu.memory_space<hbm>>
      %dma_start3A_27 = tpu.memref_squeeze %dma_start3A_26 : memref<1x10x128xi32, #tpu.memory_space<hbm>> -> memref<10x128xi32, #tpu.memory_space<hbm>>
      tpu.enqueue_dma source(%dma_start3A_27 : memref<10x128xi32, #tpu.memory_space<hbm>>) target(%arg5 : memref<10x128xi32, #tpu.memory_space<vmem>>) target_semaphore(%run_scoped3A : memref<!tpu.dma_semaphore, #tpu.memory_space<semaphore_mem>>)
      %dma_wait3A = arith.constant 0 : i32
      %dma_wait3A_28 = arith.constant 0 : i32
      %dma_wait3A_29 = tpu.memref_slice %arg2[%add3A, %dma_wait3A, %dma_wait3A_28] : memref<32x10x128xi32, #tpu.memory_space<hbm>> -> memref<1x10x128xi32, #tpu.memory_space<hbm>>
      %dma_wait3A_30 = tpu.memref_squeeze %dma_wait3A_29 : memref<1x10x128xi32, #tpu.memory_space<hbm>> -> memref<10x128xi32, #tpu.memory_space<hbm>>
      %dma_wait3A_31 = arith.constant 0 : i32
      %dma_wait3A_32 = arith.constant 0 : i32
      %dma_wait3A_33 = tpu.memref_slice %arg2[%add3A, %dma_wait3A_31, %dma_wait3A_32] : memref<32x10x128xi32, #tpu.memory_space<hbm>> -> memref<1x10x128xi32, #tpu.memory_space<hbm>>
      %dma_wait3A_34 = tpu.memref_squeeze %dma_wait3A_33 : memref<1x10x128xi32, #tpu.memory_space<hbm>> -> memref<10x128xi32, #tpu.memory_space<hbm>>
      tpu.wait_dma2 semaphore(%run_scoped3A : memref<!tpu.dma_semaphore, #tpu.memory_space<semaphore_mem>>) src(%dma_wait3A_34 : memref<10x128xi32, #tpu.memory_space<hbm>>) dst(%arg5 : memref<10x128xi32, #tpu.memory_space<vmem>>)
      tpu.yield
    }) : () -> ()
    %dma_start3A = arith.constant 0 : i32
    %dma_start3A_3 = arith.constant 0 : i32
    %dma_start3A_4 = arith.constant 0 : i32
    %dma_start3A_5 = arith.constant 0 : i32
    %dma_start3A_6 = tpu.memref_slice %arg6[%dma_start3A_3, %dma_start3A_4, %dma_start3A_5] : memref<2x128x128xf32, #tpu.memory_space<vmem>> -> memref<1x128x128xf32, #tpu.memory_space<vmem>>
    %dma_start3A_7 = tpu.memref_squeeze %dma_start3A_6 : memref<1x128x128xf32, #tpu.memory_space<vmem>> -> memref<128x128xf32, #tpu.memory_space<vmem>>
    %dma_start3A_8 = arith.constant 0 : i32
    %dma_start3A_9 = tpu.memref_slice %arg5[%dma_start3A, %dma_start3A_8] : memref<10x128xi32, #tpu.memory_space<vmem>> -> memref<1x128xi32, #tpu.memory_space<vmem>>
    %dma_start3A_10 = tpu.memref_squeeze %dma_start3A_9 : memref<1x128xi32, #tpu.memory_space<vmem>> -> memref<128xi32, #tpu.memory_space<vmem>>
    %dma_start3A_11 = arith.constant 0 : i32
    %dma_start3A_12 = arith.constant 0 : i32
    %dma_start3A_13 = tpu.memref_slice %arg3[%dma_start3A_11, %dma_start3A_12] : memref<20480x128xf32, #tpu.memory_space<hbm>> -> memref<20480x128xf32, #tpu.memory_space<hbm>>
    tpu.enqueue_indirect_dma source(%dma_start3A_13 : memref<20480x128xf32, #tpu.memory_space<hbm>>) target(%dma_start3A_7 : memref<128x128xf32, #tpu.memory_space<vmem>>) offsets(%dma_start3A_10 : memref<128xi32, #tpu.memory_space<vmem>>) semaphore(%arg8 : memref<!tpu.dma_semaphore, #tpu.memory_space<semaphore_mem>>)
    %scan3A = arith.constant 0 : i32
    %scan3A_14 = arith.constant 0 : i32
    %scan3A_15 = arith.constant 5 : i32
    %scan3A_16 = arith.addi %scan3A_14, %scan3A_15 : i32
    %scan3A_17 = arith.constant 1 : i32
    %scan3A_18 = scf.for %scan3A_20 = %scan3A_14 to %scan3A_16 step %scan3A_17 iter_args(%scan3A_21 = %scan3A) -> (i32)  : i32 {
      %mul3A_22 = arith.constant 2 : i32
      %mul3A_23 = arith.muli %scan3A_20, %mul3A_22 : i32
      %add3A_24 = arith.constant 0 : i32
      %add3A_25 = arith.addi %mul3A_23, %add3A_24 : i32
      %add3A_26 = arith.constant 1 : i32
      %add3A_27 = arith.addi %add3A_25, %add3A_26 : i32
      %lt3A = arith.constant 10 : i32
      %lt3A_28 = arith.cmpi slt, %add3A_27, %lt3A : i32
      %convert_element_type3A = arith.extui %lt3A_28 : i1 to i32
      %cond3A = arith.constant 0 : i32
      %cond3A_29 = arith.cmpi ne, %convert_element_type3A, %cond3A : i32
      scf.if %cond3A_29 {
        %add3A_86 = arith.constant 1 : i32
        %add3A_87 = arith.addi %add3A_25, %add3A_86 : i32
        %dma_start3A_88 = arith.constant 1 : i32
        %dma_start3A_89 = arith.constant 0 : i32
        %dma_start3A_90 = arith.constant 0 : i32
        %dma_start3A_91 = tpu.memref_slice %arg6[%dma_start3A_88, %dma_start3A_89, %dma_start3A_90] : memref<2x128x128xf32, #tpu.memory_space<vmem>> -> memref<1x128x128xf32, #tpu.memory_space<vmem>>
        %dma_start3A_92 = tpu.memref_squeeze %dma_start3A_91 : memref<1x128x128xf32, #tpu.memory_space<vmem>> -> memref<128x128xf32, #tpu.memory_space<vmem>>
        %dma_start3A_93 = arith.constant 0 : i32
        %dma_start3A_94 = tpu.memref_slice %arg5[%add3A_87, %dma_start3A_93] : memref<10x128xi32, #tpu.memory_space<vmem>> -> memref<1x128xi32, #tpu.memory_space<vmem>>
        %dma_start3A_95 = tpu.memref_squeeze %dma_start3A_94 : memref<1x128xi32, #tpu.memory_space<vmem>> -> memref<128xi32, #tpu.memory_space<vmem>>
        %dma_start3A_96 = arith.constant 0 : i32
        %dma_start3A_97 = arith.constant 0 : i32
        %dma_start3A_98 = tpu.memref_slice %arg3[%dma_start3A_96, %dma_start3A_97] : memref<20480x128xf32, #tpu.memory_space<hbm>> -> memref<20480x128xf32, #tpu.memory_space<hbm>>
        tpu.enqueue_indirect_dma source(%dma_start3A_98 : memref<20480x128xf32, #tpu.memory_space<hbm>>) target(%dma_start3A_92 : memref<128x128xf32, #tpu.memory_space<vmem>>) offsets(%dma_start3A_95 : memref<128xi32, #tpu.memory_space<vmem>>) semaphore(%arg9 : memref<!tpu.dma_semaphore, #tpu.memory_space<semaphore_mem>>)
      } else {
      }
      %dma_wait3A = arith.constant 0 : i32
      %dma_wait3A_30 = arith.constant 0 : i32
      %dma_wait3A_31 = arith.constant 0 : i32
      %dma_wait3A_32 = arith.constant 0 : i32
      %dma_wait3A_33 = tpu.memref_slice %arg6[%dma_wait3A_30, %dma_wait3A_31, %dma_wait3A_32] : memref<2x128x128xf32, #tpu.memory_space<vmem>> -> memref<1x128x128xf32, #tpu.memory_space<vmem>>
      %dma_wait3A_34 = tpu.memref_squeeze %dma_wait3A_33 : memref<1x128x128xf32, #tpu.memory_space<vmem>> -> memref<128x128xf32, #tpu.memory_space<vmem>>
      %dma_wait3A_35 = arith.constant 0 : i32
      %dma_wait3A_36 = tpu.memref_slice %arg5[%dma_wait3A, %dma_wait3A_35] : memref<10x128xi32, #tpu.memory_space<vmem>> -> memref<1x128xi32, #tpu.memory_space<vmem>>
      %dma_wait3A_37 = tpu.memref_squeeze %dma_wait3A_36 : memref<1x128xi32, #tpu.memory_space<vmem>> -> memref<128xi32, #tpu.memory_space<vmem>>
      %dma_wait3A_38 = arith.constant 0 : i32
      %dma_wait3A_39 = arith.constant 0 : i32
      %dma_wait3A_40 = tpu.memref_slice %arg3[%dma_wait3A_38, %dma_wait3A_39] : memref<20480x128xf32, #tpu.memory_space<hbm>> -> memref<20480x128xf32, #tpu.memory_space<hbm>>
      tpu.wait_indirect_dma semaphore(%arg8 : memref<!tpu.dma_semaphore, #tpu.memory_space<semaphore_mem>>) src(%dma_wait3A_40 : memref<20480x128xf32, #tpu.memory_space<hbm>>) dst(%dma_wait3A_34 : memref<128x128xf32, #tpu.memory_space<vmem>>)
      %scan3A_41 = arith.constant 0 : i32
      %scan3A_42 = arith.constant 0 : i32
      %scan3A_43 = arith.constant 32 : i32
      %scan3A_44 = arith.addi %scan3A_42, %scan3A_43 : i32
      %scan3A_45 = arith.constant 1 : i32
      %scan3A_46 = scf.for %scan3A_86 = %scan3A_42 to %scan3A_44 step %scan3A_45 iter_args(%scan3A_87 = %scan3A_41) -> (i32)  : i32 {
        %mul3A_88 = arith.constant 4 : i32
        %mul3A_89 = arith.muli %scan3A_86, %mul3A_88 : i32
        %add3A_90 = arith.constant 0 : i32
        %add3A_91 = arith.addi %mul3A_89, %add3A_90 : i32
        %add3A_92 = arith.constant 0 : i32
        %add3A_93 = arith.addi %add3A_92, %add3A_91 : i32
        %mul3A_94 = arith.constant 32 : i32
        %mul3A_95 = arith.muli %add3A_93, %mul3A_94 : i32
        %get3A = arith.constant 0 : i32
        %get3A_96 = arith.index_cast %get3A : i32 to index
        %get3A_97 = arith.index_cast %add3A_91 : i32 to index
        %get3A_98 = arith.constant 0 : index
        %get3A_99 = tpu.vector_load %arg6[%get3A_96, %get3A_97, %get3A_98] {strides = array<i32>} : memref<2x128x128xf32, #tpu.memory_space<vmem>>, vector<1x1x16xf32>,
        %get3A_100 = vector.shape_cast %get3A_99 : vector<1x1x16xf32> to vector<16xf32>
        %swap3A = arith.index_cast %mul3A_95 : i32 to index
        %swap3A_101 = tpu.vector_load %arg7[%swap3A] {strides = array<i32>} : memref<8192xf32, #tpu.memory_space<vmem>>, vector<16xf32>,
        %swap3A_102 = vector.shape_cast %swap3A_101 : vector<16xf32> to vector<16xf32>
        %swap3A_103 = vector.shape_cast %get3A_100 : vector<16xf32> to vector<16xf32>
        tpu.vector_store %arg7[%swap3A], %swap3A_103 {strides = array<i32>} : memref<8192xf32, #tpu.memory_space<vmem>>, vector<16xf32>,
        %get3A_104 = arith.constant 0 : i32
        %get3A_105 = arith.index_cast %get3A_104 : i32 to index
        %get3A_106 = arith.index_cast %add3A_91 : i32 to index
        %get3A_107 = arith.constant 16 : index
        %get3A_108 = tpu.vector_load %arg6[%get3A_105, %get3A_106, %get3A_107] {strides = array<i32>} : memref<2x128x128xf32, #tpu.memory_space<vmem>>, vector<1x1x16xf32>,
        %get3A_109 = vector.shape_cast %get3A_108 : vector<1x1x16xf32> to vector<16xf32>
        %add3A_110 = arith.constant 16 : i32
        %add3A_111 = arith.addi %mul3A_95, %add3A_110 : i32
        %swap3A_112 = arith.index_cast %add3A_111 : i32 to index
        %swap3A_113 = tpu.vector_load %arg7[%swap3A_112] {strides = array<i32>} : memref<8192xf32, #tpu.memory_space<vmem>>, vector<16xf32>,
        %swap3A_114 = vector.shape_cast %swap3A_113 : vector<16xf32> to vector<16xf32>
        %swap3A_115 = vector.shape_cast %get3A_109 : vector<16xf32> to vector<16xf32>
        tpu.vector_store %arg7[%swap3A_112], %swap3A_115 {strides = array<i32>} : memref<8192xf32, #tpu.memory_space<vmem>>, vector<16xf32>,
        %mul3A_116 = arith.constant 4 : i32
        %mul3A_117 = arith.muli %scan3A_86, %mul3A_116 : i32
        %add3A_118 = arith.constant 1 : i32
        %add3A_119 = arith.addi %mul3A_117, %add3A_118 : i32
        %add3A_120 = arith.constant 0 : i32
        %add3A_121 = arith.addi %add3A_120, %add3A_119 : i32
        %mul3A_122 = arith.constant 32 : i32
        %mul3A_123 = arith.muli %add3A_121, %mul3A_122 : i32
        %get3A_124 = arith.constant 0 : i32
        %get3A_125 = arith.index_cast %get3A_124 : i32 to index
        %get3A_126 = arith.index_cast %add3A_119 : i32 to index
        %get3A_127 = arith.constant 0 : index
        %get3A_128 = tpu.vector_load %arg6[%get3A_125, %get3A_126, %get3A_127] {strides = array<i32>} : memref<2x128x128xf32, #tpu.memory_space<vmem>>, vector<1x1x16xf32>,
        %get3A_129 = vector.shape_cast %get3A_128 : vector<1x1x16xf32> to vector<16xf32>
        %swap3A_130 = arith.index_cast %mul3A_123 : i32 to index
        %swap3A_131 = tpu.vector_load %arg7[%swap3A_130] {strides = array<i32>} : memref<8192xf32, #tpu.memory_space<vmem>>, vector<16xf32>,
        %swap3A_132 = vector.shape_cast %swap3A_131 : vector<16xf32> to vector<16xf32>
        %swap3A_133 = vector.shape_cast %get3A_129 : vector<16xf32> to vector<16xf32>
        tpu.vector_store %arg7[%swap3A_130], %swap3A_133 {strides = array<i32>} : memref<8192xf32, #tpu.memory_space<vmem>>, vector<16xf32>,
        %get3A_134 = arith.constant 0 : i32
        %get3A_135 = arith.index_cast %get3A_134 : i32 to index
        %get3A_136 = arith.index_cast %add3A_119 : i32 to index
        %get3A_137 = arith.constant 16 : index
        %get3A_138 = tpu.vector_load %arg6[%get3A_135, %get3A_136, %get3A_137] {strides = array<i32>} : memref<2x128x128xf32, #tpu.memory_space<vmem>>, vector<1x1x16xf32>,
        %get3A_139 = vector.shape_cast %get3A_138 : vector<1x1x16xf32> to vector<16xf32>
        %add3A_140 = arith.constant 16 : i32
        %add3A_141 = arith.addi %mul3A_123, %add3A_140 : i32
        %swap3A_142 = arith.index_cast %add3A_141 : i32 to index
        %swap3A_143 = tpu.vector_load %arg7[%swap3A_142] {strides = array<i32>} : memref<8192xf32, #tpu.memory_space<vmem>>, vector<16xf32>,
        %swap3A_144 = vector.shape_cast %swap3A_143 : vector<16xf32> to vector<16xf32>
        %swap3A_145 = vector.shape_cast %get3A_139 : vector<16xf32> to vector<16xf32>
        tpu.vector_store %arg7[%swap3A_142], %swap3A_145 {strides = array<i32>} : memref<8192xf32, #tpu.memory_space<vmem>>, vector<16xf32>,
        %mul3A_146 = arith.constant 4 : i32
        %mul3A_147 = arith.muli %scan3A_86, %mul3A_146 : i32
        %add3A_148 = arith.constant 2 : i32
        %add3A_149 = arith.addi %mul3A_147, %add3A_148 : i32
        %add3A_150 = arith.constant 0 : i32
        %add3A_151 = arith.addi %add3A_150, %add3A_149 : i32
        %mul3A_152 = arith.constant 32 : i32
        %mul3A_153 = arith.muli %add3A_151, %mul3A_152 : i32
        %get3A_154 = arith.constant 0 : i32
        %get3A_155 = arith.index_cast %get3A_154 : i32 to index
        %get3A_156 = arith.index_cast %add3A_149 : i32 to index
        %get3A_157 = arith.constant 0 : index
        %get3A_158 = tpu.vector_load %arg6[%get3A_155, %get3A_156, %get3A_157] {strides = array<i32>} : memref<2x128x128xf32, #tpu.memory_space<vmem>>, vector<1x1x16xf32>,
        %get3A_159 = vector.shape_cast %get3A_158 : vector<1x1x16xf32> to vector<16xf32>
        %swap3A_160 = arith.index_cast %mul3A_153 : i32 to index
        %swap3A_161 = tpu.vector_load %arg7[%swap3A_160] {strides = array<i32>} : memref<8192xf32, #tpu.memory_space<vmem>>, vector<16xf32>,
        %swap3A_162 = vector.shape_cast %swap3A_161 : vector<16xf32> to vector<16xf32>
        %swap3A_163 = vector.shape_cast %get3A_159 : vector<16xf32> to vector<16xf32>
        tpu.vector_store %arg7[%swap3A_160], %swap3A_163 {strides = array<i32>} : memref<8192xf32, #tpu.memory_space<vmem>>, vector<16xf32>,
        %get3A_164 = arith.constant 0 : i32
        %get3A_165 = arith.index_cast %get3A_164 : i32 to index
        %get3A_166 = arith.index_cast %add3A_149 : i32 to index
        %get3A_167 = arith.constant 16 : index
        %get3A_168 = tpu.vector_load %arg6[%get3A_165, %get3A_166, %get3A_167] {strides = array<i32>} : memref<2x128x128xf32, #tpu.memory_space<vmem>>, vector<1x1x16xf32>,
        %get3A_169 = vector.shape_cast %get3A_168 : vector<1x1x16xf32> to vector<16xf32>
        %add3A_170 = arith.constant 16 : i32
        %add3A_171 = arith.addi %mul3A_153, %add3A_170 : i32
        %swap3A_172 = arith.index_cast %add3A_171 : i32 to index
        %swap3A_173 = tpu.vector_load %arg7[%swap3A_172] {strides = array<i32>} : memref<8192xf32, #tpu.memory_space<vmem>>, vector<16xf32>,
        %swap3A_174 = vector.shape_cast %swap3A_173 : vector<16xf32> to vector<16xf32>
        %swap3A_175 = vector.shape_cast %get3A_169 : vector<16xf32> to vector<16xf32>
        tpu.vector_store %arg7[%swap3A_172], %swap3A_175 {strides = array<i32>} : memref<8192xf32, #tpu.memory_space<vmem>>, vector<16xf32>,
        %mul3A_176 = arith.constant 4 : i32
        %mul3A_177 = arith.muli %scan3A_86, %mul3A_176 : i32
        %add3A_178 = arith.constant 3 : i32
        %add3A_179 = arith.addi %mul3A_177, %add3A_178 : i32
        %add3A_180 = arith.constant 0 : i32
        %add3A_181 = arith.addi %add3A_180, %add3A_179 : i32
        %mul3A_182 = arith.constant 32 : i32
        %mul3A_183 = arith.muli %add3A_181, %mul3A_182 : i32
        %get3A_184 = arith.constant 0 : i32
        %get3A_185 = arith.index_cast %get3A_184 : i32 to index
        %get3A_186 = arith.index_cast %add3A_179 : i32 to index
        %get3A_187 = arith.constant 0 : index
        %get3A_188 = tpu.vector_load %arg6[%get3A_185, %get3A_186, %get3A_187] {strides = array<i32>} : memref<2x128x128xf32, #tpu.memory_space<vmem>>, vector<1x1x16xf32>,
        %get3A_189 = vector.shape_cast %get3A_188 : vector<1x1x16xf32> to vector<16xf32>
        %swap3A_190 = arith.index_cast %mul3A_183 : i32 to index
        %swap3A_191 = tpu.vector_load %arg7[%swap3A_190] {strides = array<i32>} : memref<8192xf32, #tpu.memory_space<vmem>>, vector<16xf32>,
        %swap3A_192 = vector.shape_cast %swap3A_191 : vector<16xf32> to vector<16xf32>
        %swap3A_193 = vector.shape_cast %get3A_189 : vector<16xf32> to vector<16xf32>
        tpu.vector_store %arg7[%swap3A_190], %swap3A_193 {strides = array<i32>} : memref<8192xf32, #tpu.memory_space<vmem>>, vector<16xf32>,
        %get3A_194 = arith.constant 0 : i32
        %get3A_195 = arith.index_cast %get3A_194 : i32 to index
        %get3A_196 = arith.index_cast %add3A_179 : i32 to index
        %get3A_197 = arith.constant 16 : index
        %get3A_198 = tpu.vector_load %arg6[%get3A_195, %get3A_196, %get3A_197] {strides = array<i32>} : memref<2x128x128xf32, #tpu.memory_space<vmem>>, vector<1x1x16xf32>,
        %get3A_199 = vector.shape_cast %get3A_198 : vector<1x1x16xf32> to vector<16xf32>
        %add3A_200 = arith.constant 16 : i32
        %add3A_201 = arith.addi %mul3A_183, %add3A_200 : i32
        %swap3A_202 = arith.index_cast %add3A_201 : i32 to index
        %swap3A_203 = tpu.vector_load %arg7[%swap3A_202] {strides = array<i32>} : memref<8192xf32, #tpu.memory_space<vmem>>, vector<16xf32>,
        %swap3A_204 = vector.shape_cast %swap3A_203 : vector<16xf32> to vector<16xf32>
        %swap3A_205 = vector.shape_cast %get3A_199 : vector<16xf32> to vector<16xf32>
        tpu.vector_store %arg7[%swap3A_202], %swap3A_205 {strides = array<i32>} : memref<8192xf32, #tpu.memory_space<vmem>>, vector<16xf32>,
        %scan3A_206 = arith.constant 0 : i32
        scf.yield %scan3A_206 : i32
      }
      %scan3A_47 = arith.constant 32 : i32
      %mul3A_48 = arith.constant 2 : i32
      %mul3A_49 = arith.muli %scan3A_20, %mul3A_48 : i32
      %add3A_50 = arith.constant 1 : i32
      %add3A_51 = arith.addi %mul3A_49, %add3A_50 : i32
      %add3A_52 = arith.constant 1 : i32
      %add3A_53 = arith.addi %add3A_51, %add3A_52 : i32
      %lt3A_54 = arith.constant 10 : i32
      %lt3A_55 = arith.cmpi slt, %add3A_53, %lt3A_54 : i32
      %convert_element_type3A_56 = arith.extui %lt3A_55 : i1 to i32
      %cond3A_57 = arith.constant 0 : i32
      %cond3A_58 = arith.cmpi ne, %convert_element_type3A_56, %cond3A_57 : i32
      scf.if %cond3A_58 {
        %add3A_86 = arith.constant 1 : i32
        %add3A_87 = arith.addi %add3A_51, %add3A_86 : i32
        %dma_start3A_88 = arith.constant 0 : i32
        %dma_start3A_89 = arith.constant 0 : i32
        %dma_start3A_90 = arith.constant 0 : i32
        %dma_start3A_91 = tpu.memref_slice %arg6[%dma_start3A_88, %dma_start3A_89, %dma_start3A_90] : memref<2x128x128xf32, #tpu.memory_space<vmem>> -> memref<1x128x128xf32, #tpu.memory_space<vmem>>
        %dma_start3A_92 = tpu.memref_squeeze %dma_start3A_91 : memref<1x128x128xf32, #tpu.memory_space<vmem>> -> memref<128x128xf32, #tpu.memory_space<vmem>>
        %dma_start3A_93 = arith.constant 0 : i32
        %dma_start3A_94 = tpu.memref_slice %arg5[%add3A_87, %dma_start3A_93] : memref<10x128xi32, #tpu.memory_space<vmem>> -> memref<1x128xi32, #tpu.memory_space<vmem>>
        %dma_start3A_95 = tpu.memref_squeeze %dma_start3A_94 : memref<1x128xi32, #tpu.memory_space<vmem>> -> memref<128xi32, #tpu.memory_space<vmem>>
        %dma_start3A_96 = arith.constant 0 : i32
        %dma_start3A_97 = arith.constant 0 : i32
        %dma_start3A_98 = tpu.memref_slice %arg3[%dma_start3A_96, %dma_start3A_97] : memref<20480x128xf32, #tpu.memory_space<hbm>> -> memref<20480x128xf32, #tpu.memory_space<hbm>>
        tpu.enqueue_indirect_dma source(%dma_start3A_98 : memref<20480x128xf32, #tpu.memory_space<hbm>>) target(%dma_start3A_92 : memref<128x128xf32, #tpu.memory_space<vmem>>) offsets(%dma_start3A_95 : memref<128xi32, #tpu.memory_space<vmem>>) semaphore(%arg8 : memref<!tpu.dma_semaphore, #tpu.memory_space<semaphore_mem>>)
      } else {
      }
      %dma_wait3A_59 = arith.constant 0 : i32
      %dma_wait3A_60 = arith.constant 1 : i32
      %dma_wait3A_61 = arith.constant 0 : i32
      %dma_wait3A_62 = arith.constant 0 : i32
      %dma_wait3A_63 = tpu.memref_slice %arg6[%dma_wait3A_60, %dma_wait3A_61, %dma_wait3A_62] : memref<2x128x128xf32, #tpu.memory_space<vmem>> -> memref<1x128x128xf32, #tpu.memory_space<vmem>>
      %dma_wait3A_64 = tpu.memref_squeeze %dma_wait3A_63 : memref<1x128x128xf32, #tpu.memory_space<vmem>> -> memref<128x128xf32, #tpu.memory_space<vmem>>
      %dma_wait3A_65 = arith.constant 0 : i32
      %dma_wait3A_66 = tpu.memref_slice %arg5[%dma_wait3A_59, %dma_wait3A_65] : memref<10x128xi32, #tpu.memory_space<vmem>> -> memref<1x128xi32, #tpu.memory_space<vmem>>
      %dma_wait3A_67 = tpu.memref_squeeze %dma_wait3A_66 : memref<1x128xi32, #tpu.memory_space<vmem>> -> memref<128xi32, #tpu.memory_space<vmem>>
      %dma_wait3A_68 = arith.constant 0 : i32
      %dma_wait3A_69 = arith.constant 0 : i32
      %dma_wait3A_70 = tpu.memref_slice %arg3[%dma_wait3A_68, %dma_wait3A_69] : memref<20480x128xf32, #tpu.memory_space<hbm>> -> memref<20480x128xf32, #tpu.memory_space<hbm>>
      tpu.wait_indirect_dma semaphore(%arg9 : memref<!tpu.dma_semaphore, #tpu.memory_space<semaphore_mem>>) src(%dma_wait3A_70 : memref<20480x128xf32, #tpu.memory_space<hbm>>) dst(%dma_wait3A_64 : memref<128x128xf32, #tpu.memory_space<vmem>>)
      %scan3A_71 = arith.constant 0 : i32
      %scan3A_72 = arith.constant 0 : i32
      %scan3A_73 = arith.constant 32 : i32
      %scan3A_74 = arith.addi %scan3A_72, %scan3A_73 : i32
      %scan3A_75 = arith.constant 1 : i32
      %scan3A_76 = scf.for %scan3A_86 = %scan3A_72 to %scan3A_74 step %scan3A_75 iter_args(%scan3A_87 = %scan3A_71) -> (i32)  : i32 {
        %mul3A_88 = arith.constant 4 : i32
        %mul3A_89 = arith.muli %scan3A_86, %mul3A_88 : i32
        %add3A_90 = arith.constant 0 : i32
        %add3A_91 = arith.addi %mul3A_89, %add3A_90 : i32
        %add3A_92 = arith.constant 128 : i32
        %add3A_93 = arith.addi %add3A_92, %add3A_91 : i32
        %mul3A_94 = arith.constant 32 : i32
        %mul3A_95 = arith.muli %add3A_93, %mul3A_94 : i32
        %get3A = arith.constant 1 : i32
        %get3A_96 = arith.index_cast %get3A : i32 to index
        %get3A_97 = arith.index_cast %add3A_91 : i32 to index
        %get3A_98 = arith.constant 0 : index
        %get3A_99 = tpu.vector_load %arg6[%get3A_96, %get3A_97, %get3A_98] {strides = array<i32>} : memref<2x128x128xf32, #tpu.memory_space<vmem>>, vector<1x1x16xf32>,
        %get3A_100 = vector.shape_cast %get3A_99 : vector<1x1x16xf32> to vector<16xf32>
        %swap3A = arith.index_cast %mul3A_95 : i32 to index
        %swap3A_101 = tpu.vector_load %arg7[%swap3A] {strides = array<i32>} : memref<8192xf32, #tpu.memory_space<vmem>>, vector<16xf32>,
        %swap3A_102 = vector.shape_cast %swap3A_101 : vector<16xf32> to vector<16xf32>
        %swap3A_103 = vector.shape_cast %get3A_100 : vector<16xf32> to vector<16xf32>
        tpu.vector_store %arg7[%swap3A], %swap3A_103 {strides = array<i32>} : memref<8192xf32, #tpu.memory_space<vmem>>, vector<16xf32>,
        %get3A_104 = arith.constant 1 : i32
        %get3A_105 = arith.index_cast %get3A_104 : i32 to index
        %get3A_106 = arith.index_cast %add3A_91 : i32 to index
        %get3A_107 = arith.constant 16 : index
        %get3A_108 = tpu.vector_load %arg6[%get3A_105, %get3A_106, %get3A_107] {strides = array<i32>} : memref<2x128x128xf32, #tpu.memory_space<vmem>>, vector<1x1x16xf32>,
        %get3A_109 = vector.shape_cast %get3A_108 : vector<1x1x16xf32> to vector<16xf32>
        %add3A_110 = arith.constant 16 : i32
        %add3A_111 = arith.addi %mul3A_95, %add3A_110 : i32
        %swap3A_112 = arith.index_cast %add3A_111 : i32 to index
        %swap3A_113 = tpu.vector_load %arg7[%swap3A_112] {strides = array<i32>} : memref<8192xf32, #tpu.memory_space<vmem>>, vector<16xf32>,
        %swap3A_114 = vector.shape_cast %swap3A_113 : vector<16xf32> to vector<16xf32>
        %swap3A_115 = vector.shape_cast %get3A_109 : vector<16xf32> to vector<16xf32>
        tpu.vector_store %arg7[%swap3A_112], %swap3A_115 {strides = array<i32>} : memref<8192xf32, #tpu.memory_space<vmem>>, vector<16xf32>,
        %mul3A_116 = arith.constant 4 : i32
        %mul3A_117 = arith.muli %scan3A_86, %mul3A_116 : i32
        %add3A_118 = arith.constant 1 : i32
        %add3A_119 = arith.addi %mul3A_117, %add3A_118 : i32
        %add3A_120 = arith.constant 128 : i32
        %add3A_121 = arith.addi %add3A_120, %add3A_119 : i32
        %mul3A_122 = arith.constant 32 : i32
        %mul3A_123 = arith.muli %add3A_121, %mul3A_122 : i32
        %get3A_124 = arith.constant 1 : i32
        %get3A_125 = arith.index_cast %get3A_124 : i32 to index
        %get3A_126 = arith.index_cast %add3A_119 : i32 to index
        %get3A_127 = arith.constant 0 : index
        %get3A_128 = tpu.vector_load %arg6[%get3A_125, %get3A_126, %get3A_127] {strides = array<i32>} : memref<2x128x128xf32, #tpu.memory_space<vmem>>, vector<1x1x16xf32>,
        %get3A_129 = vector.shape_cast %get3A_128 : vector<1x1x16xf32> to vector<16xf32>
        %swap3A_130 = arith.index_cast %mul3A_123 : i32 to index
        %swap3A_131 = tpu.vector_load %arg7[%swap3A_130] {strides = array<i32>} : memref<8192xf32, #tpu.memory_space<vmem>>, vector<16xf32>,
        %swap3A_132 = vector.shape_cast %swap3A_131 : vector<16xf32> to vector<16xf32>
        %swap3A_133 = vector.shape_cast %get3A_129 : vector<16xf32> to vector<16xf32>
        tpu.vector_store %arg7[%swap3A_130], %swap3A_133 {strides = array<i32>} : memref<8192xf32, #tpu.memory_space<vmem>>, vector<16xf32>,
        %get3A_134 = arith.constant 1 : i32
        %get3A_135 = arith.index_cast %get3A_134 : i32 to index
        %get3A_136 = arith.index_cast %add3A_119 : i32 to index
        %get3A_137 = arith.constant 16 : index
        %get3A_138 = tpu.vector_load %arg6[%get3A_135, %get3A_136, %get3A_137] {strides = array<i32>} : memref<2x128x128xf32, #tpu.memory_space<vmem>>, vector<1x1x16xf32>,
        %get3A_139 = vector.shape_cast %get3A_138 : vector<1x1x16xf32> to vector<16xf32>
        %add3A_140 = arith.constant 16 : i32
        %add3A_141 = arith.addi %mul3A_123, %add3A_140 : i32
        %swap3A_142 = arith.index_cast %add3A_141 : i32 to index
        %swap3A_143 = tpu.vector_load %arg7[%swap3A_142] {strides = array<i32>} : memref<8192xf32, #tpu.memory_space<vmem>>, vector<16xf32>,
        %swap3A_144 = vector.shape_cast %swap3A_143 : vector<16xf32> to vector<16xf32>
        %swap3A_145 = vector.shape_cast %get3A_139 : vector<16xf32> to vector<16xf32>
        tpu.vector_store %arg7[%swap3A_142], %swap3A_145 {strides = array<i32>} : memref<8192xf32, #tpu.memory_space<vmem>>, vector<16xf32>,
        %mul3A_146 = arith.constant 4 : i32
        %mul3A_147 = arith.muli %scan3A_86, %mul3A_146 : i32
        %add3A_148 = arith.constant 2 : i32
        %add3A_149 = arith.addi %mul3A_147, %add3A_148 : i32
        %add3A_150 = arith.constant 128 : i32
        %add3A_151 = arith.addi %add3A_150, %add3A_149 : i32
        %mul3A_152 = arith.constant 32 : i32
        %mul3A_153 = arith.muli %add3A_151, %mul3A_152 : i32
        %get3A_154 = arith.constant 1 : i32
        %get3A_155 = arith.index_cast %get3A_154 : i32 to index
        %get3A_156 = arith.index_cast %add3A_149 : i32 to index
        %get3A_157 = arith.constant 0 : index
        %get3A_158 = tpu.vector_load %arg6[%get3A_155, %get3A_156, %get3A_157] {strides = array<i32>} : memref<2x128x128xf32, #tpu.memory_space<vmem>>, vector<1x1x16xf32>,
        %get3A_159 = vector.shape_cast %get3A_158 : vector<1x1x16xf32> to vector<16xf32>
        %swap3A_160 = arith.index_cast %mul3A_153 : i32 to index
        %swap3A_161 = tpu.vector_load %arg7[%swap3A_160] {strides = array<i32>} : memref<8192xf32, #tpu.memory_space<vmem>>, vector<16xf32>,
        %swap3A_162 = vector.shape_cast %swap3A_161 : vector<16xf32> to vector<16xf32>
        %swap3A_163 = vector.shape_cast %get3A_159 : vector<16xf32> to vector<16xf32>
        tpu.vector_store %arg7[%swap3A_160], %swap3A_163 {strides = array<i32>} : memref<8192xf32, #tpu.memory_space<vmem>>, vector<16xf32>,
        %get3A_164 = arith.constant 1 : i32
        %get3A_165 = arith.index_cast %get3A_164 : i32 to index
        %get3A_166 = arith.index_cast %add3A_149 : i32 to index
        %get3A_167 = arith.constant 16 : index
        %get3A_168 = tpu.vector_load %arg6[%get3A_165, %get3A_166, %get3A_167] {strides = array<i32>} : memref<2x128x128xf32, #tpu.memory_space<vmem>>, vector<1x1x16xf32>,
        %get3A_169 = vector.shape_cast %get3A_168 : vector<1x1x16xf32> to vector<16xf32>
        %add3A_170 = arith.constant 16 : i32
        %add3A_171 = arith.addi %mul3A_153, %add3A_170 : i32
        %swap3A_172 = arith.index_cast %add3A_171 : i32 to index
        %swap3A_173 = tpu.vector_load %arg7[%swap3A_172] {strides = array<i32>} : memref<8192xf32, #tpu.memory_space<vmem>>, vector<16xf32>,
        %swap3A_174 = vector.shape_cast %swap3A_173 : vector<16xf32> to vector<16xf32>
        %swap3A_175 = vector.shape_cast %get3A_169 : vector<16xf32> to vector<16xf32>
        tpu.vector_store %arg7[%swap3A_172], %swap3A_175 {strides = array<i32>} : memref<8192xf32, #tpu.memory_space<vmem>>, vector<16xf32>,
        %mul3A_176 = arith.constant 4 : i32
        %mul3A_177 = arith.muli %scan3A_86, %mul3A_176 : i32
        %add3A_178 = arith.constant 3 : i32
        %add3A_179 = arith.addi %mul3A_177, %add3A_178 : i32
        %add3A_180 = arith.constant 128 : i32
        %add3A_181 = arith.addi %add3A_180, %add3A_179 : i32
        %mul3A_182 = arith.constant 32 : i32
        %mul3A_183 = arith.muli %add3A_181, %mul3A_182 : i32
        %get3A_184 = arith.constant 1 : i32
        %get3A_185 = arith.index_cast %get3A_184 : i32 to index
        %get3A_186 = arith.index_cast %add3A_179 : i32 to index
        %get3A_187 = arith.constant 0 : index
        %get3A_188 = tpu.vector_load %arg6[%get3A_185, %get3A_186, %get3A_187] {strides = array<i32>} : memref<2x128x128xf32, #tpu.memory_space<vmem>>, vector<1x1x16xf32>,
        %get3A_189 = vector.shape_cast %get3A_188 : vector<1x1x16xf32> to vector<16xf32>
        %swap3A_190 = arith.index_cast %mul3A_183 : i32 to index
        %swap3A_191 = tpu.vector_load %arg7[%swap3A_190] {strides = array<i32>} : memref<8192xf32, #tpu.memory_space<vmem>>, vector<16xf32>,
        %swap3A_192 = vector.shape_cast %swap3A_191 : vector<16xf32> to vector<16xf32>
        %swap3A_193 = vector.shape_cast %get3A_189 : vector<16xf32> to vector<16xf32>
        tpu.vector_store %arg7[%swap3A_190], %swap3A_193 {strides = array<i32>} : memref<8192xf32, #tpu.memory_space<vmem>>, vector<16xf32>,
        %get3A_194 = arith.constant 1 : i32
        %get3A_195 = arith.index_cast %get3A_194 : i32 to index
        %get3A_196 = arith.index_cast %add3A_179 : i32 to index
        %get3A_197 = arith.constant 16 : index
        %get3A_198 = tpu.vector_load %arg6[%get3A_195, %get3A_196, %get3A_197] {strides = array<i32>} : memref<2x128x128xf32, #tpu.memory_space<vmem>>, vector<1x1x16xf32>,
        %get3A_199 = vector.shape_cast %get3A_198 : vector<1x1x16xf32> to vector<16xf32>
        %add3A_200 = arith.constant 16 : i32
        %add3A_201 = arith.addi %mul3A_183, %add3A_200 : i32
        %swap3A_202 = arith.index_cast %add3A_201 : i32 to index
        %swap3A_203 = tpu.vector_load %arg7[%swap3A_202] {strides = array<i32>} : memref<8192xf32, #tpu.memory_space<vmem>>, vector<16xf32>,
        %swap3A_204 = vector.shape_cast %swap3A_203 : vector<16xf32> to vector<16xf32>
        %swap3A_205 = vector.shape_cast %get3A_199 : vector<16xf32> to vector<16xf32>
        tpu.vector_store %arg7[%swap3A_202], %swap3A_205 {strides = array<i32>} : memref<8192xf32, #tpu.memory_space<vmem>>, vector<16xf32>,
        %scan3A_206 = arith.constant 0 : i32
        scf.yield %scan3A_206 : i32
      }
      %scan3A_77 = arith.constant 32 : i32
      %mul3A_78 = arith.constant 2 : i32
      %mul3A_79 = arith.muli %scan3A_20, %mul3A_78 : i32
      %mul3A_80 = arith.constant 128 : i32
      %mul3A_81 = arith.muli %mul3A_79, %mul3A_80 : i32
      %add3A_82 = arith.addi %mul3A_2, %mul3A_81 : i32
      %mul3A_83 = arith.constant 32 : i32
      %mul3A_84 = arith.muli %add3A_82, %mul3A_83 : i32
      "tpu.region"() ({
        %run_scoped3A = tpu.sem_alloc : memref<!tpu.dma_semaphore, #tpu.memory_space<semaphore_mem>>
        %dma_start3A_86 = tpu.memref_slice %arg4[%mul3A_84] : memref<1310720xf32, #tpu.memory_space<hbm>> -> memref<8192xf32, #tpu.memory_space<hbm>>
        %dma_start3A_87 = tpu.memref_slice %arg4[%mul3A_84] : memref<1310720xf32, #tpu.memory_space<hbm>> -> memref<8192xf32, #tpu.memory_space<hbm>>
        tpu.enqueue_dma source(%arg7 : memref<8192xf32, #tpu.memory_space<vmem>>) target(%dma_start3A_87 : memref<8192xf32, #tpu.memory_space<hbm>>) target_semaphore(%run_scoped3A : memref<!tpu.dma_semaphore, #tpu.memory_space<semaphore_mem>>)
        %dma_wait3A_88 = tpu.memref_slice %arg4[%mul3A_84] : memref<1310720xf32, #tpu.memory_space<hbm>> -> memref<8192xf32, #tpu.memory_space<hbm>>
        %dma_wait3A_89 = tpu.memref_slice %arg4[%mul3A_84] : memref<1310720xf32, #tpu.memory_space<hbm>> -> memref<8192xf32, #tpu.memory_space<hbm>>
        tpu.wait_dma2 semaphore(%run_scoped3A : memref<!tpu.dma_semaphore, #tpu.memory_space<semaphore_mem>>) src(%arg7 : memref<8192xf32, #tpu.memory_space<vmem>>) dst(%dma_wait3A_89 : memref<8192xf32, #tpu.memory_space<hbm>>)
        tpu.yield
      }) : () -> ()
      %scan3A_85 = arith.constant 0 : i32
      scf.yield %scan3A_85 : i32
    }
    %scan3A_19 = arith.constant 5 : i32
    return
  }
}

module attributes {stable_mosaic.version = 14 : i64} {
  func.func @_tc_body(%arg0: i32, %arg1: i32, %arg2: memref<1024x30xf32, #tpu.memory_space<vmem>>, %arg3: memref<1x30x45xf32, #tpu.memory_space<vmem>>, %arg4: memref<1x1x45xf32, #tpu.memory_space<vmem>>, %arg5: memref<45x4096xf32, #tpu.memory_space<vmem>>, %arg6: memref<1x1x1024xi32, #tpu.memory_space<vmem>>) attributes {dimension_semantics = [#tpu.dimension_semantics<arbitrary>, #tpu.dimension_semantics<arbitrary>], iteration_bounds = array<i64: 8, 5>, scalar_prefetch = 0 : i64, scratch_operands = 0 : i64, tpu.core_type = #tpu.core_type<tc>, window_params = [{transform_indices = @transform_0, window_bounds = array<i64: 1024, 30>}, {transform_indices = @transform_1, window_bounds = array<i64: 1, 30, 45>}, {transform_indices = @transform_2, window_bounds = array<i64: 1, 1, 45>}, {pipeline_mode = #tpu.pipeline_mode<synchronous>, transform_indices = @transform_3, window_bounds = array<i64: 45, 4096>}, {transform_indices = @transform_4, window_bounds = array<i64: 1, 1, 1024>}]} {
    %get3A = arith.constant 0 : index
    %get3A_0 = arith.constant 0 : index
    %get3A_1 = vector.load %arg2[%get3A, %get3A_0] : memref<1024x30xf32, #tpu.memory_space<vmem>>, vector<1024x30xf32>
    %get3A_2 = arith.constant 0 : index
    %get3A_3 = arith.constant 0 : index
    %get3A_4 = arith.constant 0 : index
    %get3A_5 = vector.load %arg3[%get3A_2, %get3A_3, %get3A_4] : memref<1x30x45xf32, #tpu.memory_space<vmem>>, vector<1x30x45xf32>
    %get3A_6 = vector.shape_cast %get3A_5 : vector<1x30x45xf32> to vector<30x45xf32>
    %dot_general3A = arith.constant dense<0.000000e+00> : vector<1024x45xf32>
    %dot_general3A_7 = tpu.matmul %get3A_1, %get3A_6, %dot_general3A {dimension_numbers = #tpu.dot_dimension_numbers<[1], [0], [0], [1], [0, 0, 1, 1], [], []>, transpose_lhs_hint = false} : vector<1024x30xf32>, vector<30x45xf32>, vector<1024x45xf32> -> vector<1024x45xf32>
    %get3A_8 = arith.constant 0 : index
    %get3A_9 = arith.constant 0 : index
    %get3A_10 = arith.constant 0 : index
    %get3A_11 = vector.load %arg4[%get3A_8, %get3A_9, %get3A_10] : memref<1x1x45xf32, #tpu.memory_space<vmem>>, vector<1x1x45xf32>
    %get3A_12 = vector.shape_cast %get3A_11 : vector<1x1x45xf32> to vector<1x45xf32>
    %sub3A = vector.broadcast %get3A_12 : vector<1x45xf32> to vector<1024x45xf32>
    %sub3A_13 = arith.subf %dot_general3A_7, %sub3A : vector<1024x45xf32>
    %sign3A = tpu.bitcast %sub3A_13 : vector<1024x45xf32> -> vector<1024x45xi32>
    %sign3A_14 = arith.constant -2147483648 : i32
    %sign3A_15 = vector.broadcast %sign3A_14 : i32 to vector<1024x45xi32>
    %sign3A_16 = arith.andi %sign3A, %sign3A_15 : vector<1024x45xi32>
    %sign3A_17 = arith.constant 1065353216 : i32
    %sign3A_18 = vector.broadcast %sign3A_17 : i32 to vector<1024x45xi32>
    %sign3A_19 = arith.ori %sign3A_18, %sign3A_16 : vector<1024x45xi32>
    %sign3A_20 = tpu.bitcast %sign3A_19 : vector<1024x45xi32> -> vector<1024x45xf32>
    %sign3A_21 = math.absf %sub3A_13 : vector<1024x45xf32>
    %sign3A_22 = arith.constant 0.000000e+00 : f32
    %sign3A_23 = vector.broadcast %sign3A_22 : f32 to vector<1024x45xf32>
    %sign3A_24 = arith.cmpf ogt, %sign3A_21, %sign3A_23 : vector<1024x45xf32>
    %sign3A_25 = arith.select %sign3A_24, %sign3A_20, %sub3A_13 : vector<1024x45xi1>, vector<1024x45xf32>
    %get3A_26 = arith.constant 0 : index
    %get3A_27 = arith.constant 0 : index
    %get3A_28 = vector.load %arg5[%get3A_26, %get3A_27] : memref<45x4096xf32, #tpu.memory_space<vmem>>, vector<45x4096xf32>
    %dot_general3A_29 = arith.constant dense<0.000000e+00> : vector<1024x4096xf32>
    %dot_general3A_30 = tpu.matmul %sign3A_25, %get3A_28, %dot_general3A_29 {dimension_numbers = #tpu.dot_dimension_numbers<[1], [0], [0], [1], [0, 0, 1, 1], [], []>, transpose_lhs_hint = false} : vector<1024x45xf32>, vector<45x4096xf32>, vector<1024x4096xf32> -> vector<1024x4096xf32>
    %argmax3A = tpu.reduce_index %dot_general3A_30 {axis = 1 : i32, kind = #tpu.reduction_kind<arg_max>} : vector<1024x4096xf32> -> vector<1024xi32>
    %mul3A = arith.constant 4096 : i32
    %mul3A_31 = arith.muli %arg1, %mul3A : i32
    %add3A = vector.broadcast %mul3A_31 : i32 to vector<1024xi32>
    %add3A_32 = arith.addi %argmax3A, %add3A : vector<1024xi32>
    %swap3A = arith.constant 0 : index
    %swap3A_33 = arith.constant 0 : index
    %swap3A_34 = arith.constant 0 : index
    %swap3A_35 = vector.load %arg6[%swap3A, %swap3A_33, %swap3A_34] : memref<1x1x1024xi32, #tpu.memory_space<vmem>>, vector<1x1x1024xi32>
    %swap3A_36 = vector.shape_cast %swap3A_35 : vector<1x1x1024xi32> to vector<1024xi32>
    %swap3A_37 = vector.shape_cast %add3A_32 : vector<1024xi32> to vector<1x1x1024xi32>
    tpu.vector_store %arg6[%swap3A, %swap3A_33, %swap3A_34], %swap3A_37 {strides = array<i32>} : memref<1x1x1024xi32, #tpu.memory_space<vmem>>, vector<1x1x1024xi32>,
    return
  }
  func.func @transform_0(%arg0: i32, %arg1: i32) -> (i32, i32) {
    %c0_i32 = arith.constant 0 : i32
    %c0_i32_0 = arith.constant 0 : i32
    return %arg0, %c0_i32 : i32, i32
  }
  func.func @transform_1(%arg0: i32, %arg1: i32) -> (i32, i32, i32) {
    %c0_i32 = arith.constant 0 : i32
    %c0_i32_0 = arith.constant 0 : i32
    %c0_i32_1 = arith.constant 0 : i32
    return %arg1, %c0_i32, %c0_i32_0 : i32, i32, i32
  }
  func.func @transform_2(%arg0: i32, %arg1: i32) -> (i32, i32, i32) {
    %c0_i32 = arith.constant 0 : i32
    %c0_i32_0 = arith.constant 0 : i32
    %c0_i32_1 = arith.constant 0 : i32
    return %arg1, %c0_i32, %c0_i32_0 : i32, i32, i32
  }
  func.func @transform_3(%arg0: i32, %arg1: i32) -> (i32, i32) {
    %c0_i32 = arith.constant 0 : i32
    %c0_i32_0 = arith.constant 0 : i32
    %c0_i32_1 = arith.constant 0 : i32
    return %c0_i32, %c0_i32_0 : i32, i32
  }
  func.func @transform_4(%arg0: i32, %arg1: i32) -> (i32, i32, i32) {
    %c0_i32 = arith.constant 0 : i32
    %c0_i32_0 = arith.constant 0 : i32
    return %arg1, %c0_i32, %arg0 : i32, i32, i32
  }
}

</mosaic_0001>

<sc_bundles>
// kernel: kernel.6.cloned.1.call-start
scs
__scs_entry_jumppad:
0x0: {  	(pc) =	sbr.rel $0x88, $3  }
0x1: {  	(tag) =	ssettag $0x0;
	lr =	simm.s32 $0x1  }
0x2: {  	[smem:$0x3F9C] =	sst lr;
	_ =	strace $0xD0000000  }
0x3: {  	_ = 	snop  }
0x4: {  	_ = 	snop  }
0x5: {  	_ = 	snop  }
0x6: {  	_ = 	snop  }
0x7: {  	_ = 	snop  }
__scs_overlays_trampoline_lowered:
0x8: {  	[smem:$0x3FAB] =	sst s0  }
0x9: {  	[smem:$0x3FAC] =	sst s1  }
0xa: {  	[smem:$0x3FAD] =	sst s2  }
0xb: {  	[smem:$0x3FAE] =	sst s3  }
0xc: {  	[smem:$0x3FAF] =	sst s4  }
0xd: {  	[smem:$0x3FB0] =	sst s5  }
0xe: {  	[smem:$0x3FB1] =	sst s6  }
0xf: {  	[smem:$0x3FB2] =	sst s7  }
0x10: {  	[smem:$0x3FB3] =	sst s8  }
0x11: {  	[smem:$0x3FB4] =	sst s9;
	s0 =	simm.s32 @!p0 $0x0  }
0x12: {  	s1 =	sld [smem:$0x3F9A];
	s0 =	simm.s32 @p0 $0x1  }
0x13: {  	[smem:$0x3FB5] =	sst s0;
	s0 =	simm.s32 @!p1 $0x0  }
0x14: {  	s2 =	sld [smem:$0x3F99];
	s0 =	simm.s32 @p1 $0x1  }
0x15: {  	[smem:$0x3FB6] =	sst s0;
	s0 =	simm.s32 @!p2 $0x0  }
0x16: {  	s3 =	sld [smem:$0x3FDB];
	s0 =	simm.s32 @p2 $0x1  }
0x17: {  	s4 =	simm.s32 $0x1BF5;
	[smem:$0x3FB8] =	sst s0  }
0x18: {  	s0 =	sld [smem:$0x3F9B];
	_ =	swait.ge [sflag:s4], $0x0  }
0x19: {  	s7 =	sld [smem:$0x3F9C]  }
0x1a: {  	s8 =	sadd.s32 $0xFFFFE003, lr  }
0x1b: {  	s9 =	sadd.s32 $0xFFFFFEF7, lr;
	s5 =	simm.s32 $0xFFFFFFFF;
	p2 =	slt.u32 s8, $0xFFFFF086  }
0x1c: {  	p1 =	slt.u32 s9, $0xF7A;
	s5 =	simm.s32 @!p2 $0x0  }
0x1d: {  	s5 =	simm.s32 @p1 $0x1;
	p0 =	seq.s32 s7, s2  }
0x1e: {  	s7 =	smul.u32 @!p0 $0xF7A, s2;
	p2 =	seq.s32 @!p0 s5, $0x0  }
0x1f: {  	s9 =	smul.u32 $0xF7A, s1;
	s8 =	simm.s32 @!p0 $0x1BF5;
	p2 =	por !p2, p0  }
0x20: {  	[sflag:s8] =	ssyncset.s32 @!p0 $0xFFFFF086;
	s6 =	sadd.s32 @!p0 s3, s7;
	s7 =	simm.s32 @!p0 $0x108  }
0x21: {  	s3 =	sadd.s32 s3, s9;
	s6 =	sadd.s32 @!p0 $0x88, s6;
	s7 =	simm.s32 @p2 $0x1082  }
0x22: {  	[simem:s7], [sflag:s8] =	dma.local @!p0 [hbm:s6], $0xF7A  }
0x23: {  	s9 =	sor.u32 $0xD0000000, s2;
	s6 =	simm.s32 $0x108;
	_ =	swait.ge @!p0 [sflag:s8], $0x0  }
0x24: {  	s3 =	sadd.s32 $0x88, s3;
	s6 =	simm.s32 @!p1 $0x1082;
	[sflag:s4] =	ssyncset.s32 $0xFFFFF086  }
0x25: {  	[simem:s6], [sflag:s4] =	dma.local [hbm:s3], $0xF7A  }
0x26: {  	[smem:$0x3F9C] =	sst s1;
	(tag) =	ssettag s2;
	_ =	strace s9  }
0x27: {  	s1 =	sld [smem:$0x3FAC]  }
0x28: {  	s2 =	sld [smem:$0x3FAD]  }
0x29: {  	s4 =	sld [smem:$0x3FAF]  }
0x2a: {  	p0 =	seq.s32 s5, $0x0;
	s5 =	sld [smem:$0x3FB0]  }
0x2b: {  	s6 =	sld [smem:$0x3FB1]  }
0x2c: {  	s7 =	sld [smem:$0x3FB2]  }
0x2d: {  	s3 =	simm.s32 $0x108;
	s8 =	sld [smem:$0x3FB3]  }
0x2e: {  	s3 =	simm.s32 @!p0 $0x1082;
	s9 =	sld [smem:$0x3FB4]  }
0x2f: {  	lr =	sadd.s32 s0, s3;
	s0 =	sld [smem:$0x3FAB]  }
0x30: {  	s3 =	sld [smem:$0x3FAE]  }
0x31: {  	[smem:$0x3FB7] =	sst s10  }
0x32: {  	s10 =	sld [smem:$0x3FB5];
	_ =	sdelay $0x3  }
0x33: {  	p0 =	seq.s32 s10, $0x1;
	s10 =	sld [smem:$0x3FB7];
	_ =	sdelay $0x3  }
0x34: {  	[smem:$0x3FB7] =	sst s10  }
0x35: {  	s10 =	sld [smem:$0x3FB6];
	_ =	sdelay $0x3  }
0x36: {  	p1 =	seq.s32 s10, $0x1;
	s10 =	sld [smem:$0x3FB7];
	_ =	sdelay $0x3  }
0x37: {  	[smem:$0x3FB7] =	sst s10  }
0x38: {  	s10 =	sld [smem:$0x3FB8]  }
0x39: {  	_ = 	snop;
	(pc) =	sbr.ind lr, $3  }
0x3a: {  	_ = 	snop  }
0x3b: {  	_ = 	snop  }
0x3c: {  	p2 =	seq.s32 s10, $0x1;
	s10 =	sld [smem:$0x3FB7]  }
0x3d: {  	_ =	shalt  }
0x3e: {  	_ =	shalt  }
0x3f: {  	_ =	shalt  }
0x40: {  	_ =	shalt  }
0x41: {  	_ =	shalt  }
0x42: {  	_ =	shalt  }
0x43: {  	_ =	shalt  }
0x44: {  	_ =	shalt  }
0x45: {  	_ =	shalt  }
0x46: {  	_ =	shalt  }
0x47: {  	_ =	shalt  }
0x48: {  	_ =	shalt  }
0x49: {  	_ =	shalt  }
0x4a: {  	_ =	shalt  }
0x4b: {  	_ =	shalt  }
0x4c: {  	_ =	shalt  }
0x4d: {  	_ =	shalt  }
0x4e: {  	_ =	shalt  }
0x4f: {  	_ =	shalt  }
0x50: {  	_ =	shalt  }
0x51: {  	_ =	shalt  }
0x52: {  	_ =	shalt  }
0x53: {  	_ =	shalt  }
0x54: {  	_ =	shalt  }
0x55: {  	_ =	shalt  }
0x56: {  	_ =	shalt  }
0x57: {  	_ =	shalt  }
0x58: {  	_ =	shalt  }
0x59: {  	_ =	shalt  }
0x5a: {  	_ =	shalt  }
0x5b: {  	_ =	shalt  }
0x5c: {  	_ =	shalt  }
0x5d: {  	_ =	shalt  }
0x5e: {  	_ =	shalt  }
0x5f: {  	_ =	shalt  }
0x60: {  	_ =	shalt  }
0x61: {  	_ =	shalt  }
0x62: {  	_ =	shalt  }
0x63: {  	_ =	shalt  }
0x64: {  	_ =	shalt  }
0x65: {  	_ =	shalt  }
0x66: {  	_ =	shalt  }
0x67: {  	_ =	shalt  }
0x68: {  	_ =	shalt  }
0x69: {  	_ =	shalt  }
0x6a: {  	_ =	shalt  }
0x6b: {  	_ =	shalt  }
0x6c: {  	_ =	shalt  }
0x6d: {  	_ =	shalt  }
0x6e: {  	_ =	shalt  }
0x6f: {  	_ =	shalt  }
0x70: {  	_ =	shalt  }
0x71: {  	_ =	shalt  }
0x72: {  	_ =	shalt  }
0x73: {  	_ =	shalt  }
0x74: {  	_ =	shalt  }
0x75: {  	_ =	shalt  }
0x76: {  	_ =	shalt  }
0x77: {  	_ =	shalt  }
0x78: {  	_ =	shalt  }
0x79: {  	_ =	shalt  }
0x7a: {  	_ =	shalt  }
0x7b: {  	_ =	shalt  }
0x7c: {  	_ =	shalt  }
0x7d: {  	_ =	shalt  }
0x7e: {  	_ =	shalt  }
0x7f: {  	_ =	shalt  }
0x80: {  	_ =	shalt  }
0x81: {  	_ =	shalt  }
0x82: {  	_ =	shalt  }
0x83: {  	_ =	shalt  }
0x84: {  	_ =	shalt  }
0x85: {  	_ =	shalt  }
0x86: {  	_ =	shalt  }
0x87: {  	_ =	shalt  }
.Lfunc_end0:
.L_simem_size_0:
called_computation_lowered:
.L_overlay_start_0:
0x88: {  	s2 =	sld [smem:$0x3FD9]  }
0x89: {  	s3 =	sld [smem:$0x3FFE];
	_ =	sdelay $0x1  }
0x8a: {  	s1 =	srdreg.scid  }
0x8b: {  	s0 =	sand.u32 $0x1, s1  }
0x8c: {  	s17 =	sshll.u32 s0, $0xA;
	s2 =	sadd.s32 s3, s2  }
0x8d: {  	s2 =	sadd.s32 s2, s17  }
0x8e: {  	[smem:$0x3FC3] =	sst s2  }
0x8f: {  	_ = 	snop  }
0x90: {  	s2 =	sld [smem:$0x3FD0];
	(tm) =	ssettm $0x1  }
0x91: {  	s18 =	sld [smem:$0x3FFB];
	_ =	sdelay $0x3  }
0x92: {  	_ =	strace s18  }
0x93: {  	s3 =	sld [smem:$0x3FFC];
	_ =	sdelay $0x3  }
0x94: {  	_ =	strace s3  }
0x95: {  	s3 =	sld [smem:$0x3FFD];
	_ =	sdelay $0x3  }
0x96: {  	_ =	strace s3  }
0x97: {  	_ =	strace $0x8FFFFFFF  }
0x98: {  	s19 =	sld [smem:$0x3FDB];
	_ =	sdelay $0x1  }
0x99: {  	s4 =	simm.s32 $_scs_section_size  }
0x9a: {  	s5 =	simm.s32 $_size__tile_overlayer_lowered;
	s6 =	simm.s32 $_tile_overlayer_lowered  }
0x9b: {  	s22 =	simm.s32 $0x1BFF;
	s21 =	sshll.u32 s6, $0x1;
	s3 =	sadd.s32 s4, s19  }
0x9c: {  	s7 =	simm.s32 $0x0;
	s20 =	sshll.u32 s5, $0x1;
	s5 =	sadd.s32 s21, s3  }
0x9d: {  	[timem:s7], [sflag:s22] =	dma.local [hbm:s5], s20  }
0x9e: {  	_ =	swait.ge [sflag:s22], s20  }
0x9f: {  	s4 =	ssub.s32 $0x0, s20;
	[sflag:s22] =	ssyncset.done $0x0  }
0xa0: {  	[sflag:s22] =	ssyncadd.s32 s4;
	_ =	sdelay $0x1  }
0xa1: {  	s23 =	simm.s32 $0x1B8B  }
0xa2: {  	_ =	swait.ge [sflag:s23], $0x1  }
0xa3: {  	[sflag:s23] =	ssyncset.done $0x0  }
0xa4: {  	s25 =	simm.s32 $0x1B8E;
	s24 =	sld [smem:$0x3FFE];
	[sflag:s23] =	ssyncadd.s32 $0xFFFFFFFF  }
0xa5: {  	s26 =	simm.s32 $execute0_lowered;
	[smem:$0x3FD2] =	sst s25  }
0xa6: {  	s5 =	sshll.u32 s26, $0x1;
	_ =	strace $0x80000046;
	[dreg:$0x1] =	wrdreg $0xFFFFFFFF  }
0xa7: {  	s28 =	simm.s32 $_size_execute0_lowered;
	s3 =	sadd.s32 s3, s5;
	[dreg:$0x0] =	wrdreg $0x0  }
0xa8: {  	s5 =	sshll.u32 s28, $0x1;
	[dreg:$0x2] =	wrdreg s3  }
0xa9: {  	[dreg:$0x3] =	wrdreg s5  }
0xaa: {  	[dreg:$0x4] =	wrdreg $0xC0  }
0xab: {  	_ =	task [dreg:s7], $0x5FFFF  }
0xac: {  	[dreg:$0x1] =	wrdreg $0xFFFFFFFF  }
0xad: {  	[dreg:$0x0] =	wrdreg $0x60  }
0xae: {  	[dreg:$0x2] =	wrdreg s24  }
0xaf: {  	[dreg:$0x3] =	wrdreg s2  }
0xb0: {  	[dreg:$0x4] =	wrdreg $0x9  }
0xb1: {  	_ =	task.clear_ibuf [dreg:s7], $0x5FFFF;
	_ =	strace $0x90000046  }
0xb2: {  	s29 =	simm.s32 $0x9;
	_ =	strace $0x80000048  }
0xb3: {  	_ =	swait.ge [sflag:s29], $0x1  }
0xb4: {  	[sflag:s29] =	ssyncadd.s32 $0xFFFFFFFF  }
0xb5: {  	_ =	strace $0x90000048  }
0xb6: {  	_ =	sfence  }
0xb7: {  	s30 =	sld [smem:$0x0];
	_ =	sdelay $0x2  }
0xb8: {  	s31 =	sshll.u32 s1, $0xD;
	s1 =	sshrl.u32 s1, $0x2  }
0xb9: {  	s3 =	sand.u32 $0x4000, s31;
	s1 =	sadd.s32 s1, s30  }
0xba: {  	s0 =	sor.u32 s3, s0;
	s1 =	sshll.u32 s1, $0x11  }
0xbb: {  	s0 =	sor.u32 s1, s0  }
0xbc: {  	s0 =	sadd.s32 $0x8F2B, s0  }
0xbd: {  	[sflag:s0] =	ssyncadd.remote.s32 $0x1  }
0xbe: {  	_ =	sfence.sel $0xFFFF  }
0xbf: {  	[dreg:$0x0] =	wrdreg $0xFFFFFFFF;
	(pc) =	sbr.abs _section_cstart, $3  }
0xc0: {  	[dreg:$0x1] =	wrdreg $0xFFFFFFFF  }
0xc1: {  	_ =	task.clear_ibuf [dreg:s7], $0x2FFFF;
	_ =	strace $0x9FFFFFFF  }
0xc2: {  	(tm) =	ssettm $0x7FFFFFFF  }
0xc3: {  	_ =	shalt  }
tec
execute0_lowered:
.L_overlay_start_1:
0x0: {  	(tag) =	ssettag $0x1  }
0x1: {  	s4 =	rddreg [dreg:$0x0]  }
0x2: {  	s2 =	rddreg [dreg:$0x1]  }
0x3: {  	s0 =	rddreg [dreg:$0x2];
	s5 =	srdreg.scid  }
0x4: {  	s1 =	stileid.u32;
	s3 =	simm.s32 $0x0;
	s9 =	simm.s32 $0x80  }
0x5: {  	s10 =	simm.s32 $0x800;
	s11 =	simm.s32 $0x4800;
	s12 =	simm.s32 $0x1  }
0x6: {  	s13 =	simm.s32 $0x2;
	s14 =	simm.s32 $0x8800;
	s15 =	simm.s32 $0x0  }
0x7: {  	s5 =	sand.u32 $0x1, s5;
	s6 =	sshll.u32 s1, $0x1;
	[smem:$0x7FF] =	sst s3  }
0x8: {  	s6 =	sor.u32 s5, s6;
	_ =	strace $0x80000047;
	s5 =	ssub.s32 $0x2, s5  }
0x9: {  	s7 =	sshll.u32 s6, $0x8;
	s8 =	sshrl.u32 s5, $0x1;
	s6 =	smul.u32 $0xA000, s6  }
0xa: {  	s7 =	sadd.s32 s7, s4;
	s4 =	sadd.s32 $0x2E00, s4;
	s8 =	ssub.s32 s5, s8  }
0xb: {  	s5 =	sadd.s32 $0xE00, s7;
	s7 =	smax.u32 s8, $0x1;
	s8 =	simm.s32 $0x3  }
.LBB2_1:
0xc: {  	[tilespmem:s3], [sflag:$0x3] =	stream.linear.gather [hbm4b:s5+s3], $0x500, $0x38;
	[tilespmem:$0xA800] =	vst v63  }
0xd: {  	_ =	swait.ge [sflag:s8], $0x500  }
0xe: {  	[sflag:s8] =	ssyncset.done $0x0  }
0xf: {  	s16 =	simm.s32 $0x0;
	[sflag:s8] =	ssyncadd.s32 $0xFFFFFB00  }
0x10: {  	[tilespmem:s10], [sflag:$0x1] =	stream.indirect.gather [hbm4b:s2+s9], $0x80, s3, s9, $0xb8;
	[tilespmem:$0xA800] =	vst v63  }
.LBB2_2:
0x11: {  	s17 =	sshll.u32 s16, $0x8  }
0x12: {  	s17 =	sand.u32 $0x3FFFFF00, s17  }
0x13: {  	s18 =	sor.u32 $0x80, s17  }
0x14: {  	[tilespmem:s11], [sflag:$0x2] =	stream.indirect.gather [hbm4b:s2+s9], $0x80, s18, s9, $0xb8;
	[tilespmem:$0xA800] =	vst v63  }
0x15: {  	_ =	swait.ge [sflag:s12], $0x4000  }
0x16: {  	[sflag:s12] =	ssyncset.done $0x0  }
0x17: {  	s18 =	simm.s32 $0x900;
	[sflag:s12] =	ssyncadd.s32 $0xFFFFC000  }
0x18: {  	v0 =	vld [tilespmem:s18+$0xFFFFFF00];
	_ =	sdelay $0x3  }
0x19: {  	s19 =	simm.s32 $0x8840  }
0x1a: {  	[tilespmem:s19+$0xFFFFFFC0] =	vst v0  }
0x1b: {  	v0 =	vld [tilespmem:s18+$0xFFFFFF10];
	_ =	sdelay $0x4  }
0x1c: {  	[tilespmem:s19+$0xFFFFFFD0] =	vst v0  }
0x1d: {  	v0 =	vld [tilespmem:s18+$0xFFFFFF80];
	_ =	sdelay $0x4  }
0x1e: {  	[tilespmem:s19+$0xFFFFFFE0] =	vst v0  }
0x1f: {  	v0 =	vld [tilespmem:s18+$0xFFFFFF90];
	_ =	sdelay $0x2  }
0x20: {  	s20 =	simm.s32 $0x20  }
0x21: {  	s20 =	sor.u32 $0x30, s20  }
0x22: {  	[tilespmem:s20+$0x8800] =	vst v0  }
0x23: {  	v0 =	vld [tilespmem:s18+$0x0];
	_ =	sdelay $0x4  }
0x24: {  	[tilespmem:s19+$0x0] =	vst v0  }
0x25: {  	v0 =	vld [tilespmem:s18+$0x10];
	_ =	sdelay $0x2  }
0x26: {  	s31 =	simm.s32 $0x40  }
0x27: {  	s20 =	sor.u32 $0x50, s31  }
0x28: {  	[tilespmem:s20+$0x8800] =	vst v0  }
0x29: {  	v0 =	vld [tilespmem:s18+$0x80];
	_ =	sdelay $0x4  }
0x2a: {  	[tilespmem:s19+$0x20] =	vst v0  }
0x2b: {  	v0 =	vld [tilespmem:s18+$0x90];
	_ =	sdelay $0x2  }
0x2c: {  	s21 =	simm.s32 $0x60  }
0x2d: {  	s21 =	sor.u32 $0x70, s21;
	s20 =	simm.s32 $0xE0  }
.LBB2_3:
0x2e: {  	p0 =	sne.s32 s20, $0xFE0;
	[tilespmem:s21+$0x8800] =	vst v0;
	s19 =	sadd.s32 $0x80, s19;
	s18 =	sadd.s32 $0x200, s18  }
0x2f: {  	s21 =	smov.u32 s20;
	s20 =	sadd.s32 $0x80, s20;
	v0 =	vld [tilespmem:s18+$0xFFFFFF00];
	_ =	sdelay $0x4  }
0x30: {  	[tilespmem:s19+$0xFFFFFFC0] =	vst v0  }
0x31: {  	v0 =	vld [tilespmem:s18+$0xFFFFFF10];
	_ =	sdelay $0x4  }
0x32: {  	[tilespmem:s19+$0xFFFFFFD0] =	vst v0  }
0x33: {  	v0 =	vld [tilespmem:s18+$0xFFFFFF80];
	_ =	sdelay $0x4  }
0x34: {  	[tilespmem:s19+$0xFFFFFFE0] =	vst v0  }
0x35: {  	v0 =	vld [tilespmem:s18+$0xFFFFFF90];
	_ =	sdelay $0x2  }
0x36: {  	s22 =	sadd.s32 $0xFFFFFFC0, s21  }
0x37: {  	s22 =	sor.u32 $0x30, s22  }
0x38: {  	[tilespmem:s22+$0x8800] =	vst v0  }
0x39: {  	v0 =	vld [tilespmem:s18+$0x0];
	_ =	sdelay $0x4  }
0x3a: {  	[tilespmem:s19+$0x0] =	vst v0  }
0x3b: {  	v0 =	vld [tilespmem:s18+$0x10];
	_ =	sdelay $0x2  }
0x3c: {  	s22 =	sadd.s32 $0xFFFFFFE0, s21  }
0x3d: {  	s22 =	sor.u32 $0x50, s22  }
0x3e: {  	[tilespmem:s22+$0x8800] =	vst v0  }
0x3f: {  	v0 =	vld [tilespmem:s18+$0x80];
	_ =	sdelay $0x4  }
0x40: {  	[tilespmem:s19+$0x20] =	vst v0  }
.Ltmp0:
0x41: {  	v0 =	vld [tilespmem:s18+$0x90];
	(pc) =	sbr.rel @p0 .LBB2_3-.Ltmp0, $2  }
0x42: {  	_ =	sdelay $0x2  }
0x43: {  	s21 =	sor.u32 $0x70, s21  }
0x44: {  	p0 =	seq.s32 s16, $0x4  }
0x45: {  	[tilespmem:s21+$0x8800] =	vst v0;
	s17 =	sadd.s32 @!p0 $0x100, s17;
	s18 =	simm.s32 @!p0 $0x80;
	s19 =	simm.s32 @!p0 $0x800  }
0x46: {  	[tilespmem:s19], [sflag:$0x1] =	stream.indirect.gather @!p0 [hbm4b:s2+s18], $0x80, s17, s18, $0xb8;
	[tilespmem:$0xA800] =	vst v63  }
0x47: {  	_ =	swait.ge [sflag:s13], $0x4000  }
0x48: {  	[sflag:s13] =	ssyncset.done $0x0  }
0x49: {  	s31 =	simm.s32 $0x0;
	[sflag:s13] =	ssyncadd.s32 $0xFFFFC000  }
0x4a: {  	v63 =	vld [tilespmem:s31+$0x4800];
	_ =	sdelay $0x3  }
0x4b: {  	s17 =	simm.s32 $0x9870  }
0x4c: {  	[tilespmem:s17+$0xFFFFFF90] =	vst v63  }
0x4d: {  	v0 =	vld [tilespmem:s31+$0x4810];
	_ =	sdelay $0x4  }
0x4e: {  	[tilespmem:s17+$0xFFFFFFA0] =	vst v0  }
0x4f: {  	v0 =	vld [tilespmem:s31+$0x4880];
	_ =	sdelay $0x4  }
0x50: {  	[tilespmem:s17+$0xFFFFFFB0] =	vst v0  }
0x51: {  	v0 =	vld [tilespmem:s31+$0x4890];
	_ =	sdelay $0x4  }
0x52: {  	[tilespmem:s17+$0xFFFFFFC0] =	vst v0  }
0x53: {  	v0 =	vld [tilespmem:s31+$0x4900];
	_ =	sdelay $0x4  }
0x54: {  	[tilespmem:s17+$0xFFFFFFD0] =	vst v0  }
0x55: {  	v0 =	vld [tilespmem:s31+$0x4910];
	_ =	sdelay $0x4  }
0x56: {  	[tilespmem:s17+$0xFFFFFFE0] =	vst v0  }
0x57: {  	v0 =	vld [tilespmem:s31+$0x4980];
	_ =	sdelay $0x4  }
0x58: {  	[tilespmem:s17+$0xFFFFFFF0] =	vst v0  }
0x59: {  	v0 =	vld [tilespmem:s31+$0x4990];
	_ =	sdelay $0x4  }
0x5a: {  	s18 =	simm.s32 $0x200;
	s19 =	simm.s32 $0x1000;
	[tilespmem:s17+$0x0] =	vst v0  }
.LBB2_5:
0x5b: {  	p0 =	sne.s32 s19, $0xF800;
	v0 =	vld [tilespmem:s18+$0x4800];
	_ =	sdelay $0x3  }
0x5c: {  	s17 =	sadd.s32 $0x80, s17  }
0x5d: {  	[tilespmem:s17+$0xFFFFFF90] =	vst v0  }
0x5e: {  	v0 =	vld [tilespmem:s18+$0x4810];
	_ =	sdelay $0x4  }
0x5f: {  	[tilespmem:s17+$0xFFFFFFA0] =	vst v0  }
0x60: {  	v0 =	vld [tilespmem:s18+$0x4880];
	_ =	sdelay $0x4  }
0x61: {  	[tilespmem:s17+$0xFFFFFFB0] =	vst v0  }
0x62: {  	v0 =	vld [tilespmem:s18+$0x4890];
	_ =	sdelay $0x4  }
0x63: {  	[tilespmem:s17+$0xFFFFFFC0] =	vst v0  }
0x64: {  	v0 =	vld [tilespmem:s18+$0x4900];
	_ =	sdelay $0x4  }
0x65: {  	[tilespmem:s17+$0xFFFFFFD0] =	vst v0  }
0x66: {  	v0 =	vld [tilespmem:s18+$0x4910];
	_ =	sdelay $0x4  }
0x67: {  	[tilespmem:s17+$0xFFFFFFE0] =	vst v0  }
0x68: {  	v0 =	vld [tilespmem:s18+$0x4980];
	_ =	sdelay $0x4  }
0x69: {  	[tilespmem:s17+$0xFFFFFFF0] =	vst v0  }
0x6a: {  	v0 =	vld [tilespmem:s18+$0x4990]  }
.Ltmp1:
0x6b: {  	(pc) =	sbr.rel @p0 .LBB2_5-.Ltmp1, $2  }
0x6c: {  	_ =	sdelay $0x2  }
0x6d: {  	s18 =	sshra.s32 s19, $0x2;
	s19 =	sadd.s32 $0x800, s19;
	[tilespmem:s17+$0x0] =	vst v0  }
0x6e: {  	v0 =	vld [tilespmem:s18+$0x4800];
	_ =	sdelay $0x3  }
0x6f: {  	s17 =	sadd.s32 $0x80, s17  }
0x70: {  	[tilespmem:s17+$0xFFFFFF90] =	vst v0  }
0x71: {  	v0 =	vld [tilespmem:s18+$0x4810];
	_ =	sdelay $0x4  }
0x72: {  	[tilespmem:s17+$0xFFFFFFA0] =	vst v0  }
0x73: {  	v0 =	vld [tilespmem:s18+$0x4880];
	_ =	sdelay $0x4  }
0x74: {  	[tilespmem:s17+$0xFFFFFFB0] =	vst v0  }
0x75: {  	v0 =	vld [tilespmem:s18+$0x4890];
	_ =	sdelay $0x4  }
0x76: {  	[tilespmem:s17+$0xFFFFFFC0] =	vst v0  }
0x77: {  	v0 =	vld [tilespmem:s18+$0x4900];
	_ =	sdelay $0x4  }
0x78: {  	[tilespmem:s17+$0xFFFFFFD0] =	vst v0  }
0x79: {  	v0 =	vld [tilespmem:s18+$0x4910];
	_ =	sdelay $0x4  }
0x7a: {  	[tilespmem:s17+$0xFFFFFFE0] =	vst v0  }
0x7b: {  	v0 =	vld [tilespmem:s18+$0x4980];
	_ =	sdelay $0x4  }
0x7c: {  	[tilespmem:s17+$0xFFFFFFF0] =	vst v0  }
0x7d: {  	v0 =	vld [tilespmem:s18+$0x4990];
	_ =	sdelay $0x1  }
0x7e: {  	s30 =	sshll.u32 s16, $0xD  }
0x7f: {  	s16 =	sadd.s32 $0x1, s16;
	s18 =	sadd.s32 s6, s30  }
0x80: {  	p0 =	sne.s32 s16, $0x5;
	s18 =	sshrl.u32 s18, $0x3  }
.Ltmp2:
0x81: {  	s31 =	sadd.s32 s4, s18;
	[tilespmem:s17+$0x0] =	vst v0;
	(pc) =	sbr.rel @p0 .LBB2_2-.Ltmp2, $4  }
0x82: {  	[hbm4b:s31+s3] =	stream.linear.scatter [tilespmem:s14], [sflag:$0x3], $0x2000, $0x38;
	[tilespmem:$0xA800] =	vst v63  }
0x83: {  	_ =	swait.ge [sflag:s8], $0x2000  }
0x84: {  	[sflag:s8] =	ssyncset.done $0x0  }
0x85: {  	[sflag:s8] =	ssyncadd.s32 $0xFFFFE000  }
0x86: {  	s15 =	sadd.s32 $0x1, s15  }
0x87: {  	p0 =	sne.s32 s15, s7  }
.Ltmp3:
0x88: {  	_ = 	snop;
	(pc) =	sbr.rel @p0 .LBB2_1-.Ltmp3, $1  }
0x89: {  	_ =	sdelay $0x3  }
0x8a: {  	_ =	sfence.sel $0x180000  }
0x8b: {  	[bflag:$0x0] =	sbarrier.arrive $0xFFFF  }
0x8c: {  	p0 =	sne.s32 s1, $0x0;
	_ =	strace $0x90000047  }
0x8d: {  	s0 =	sadd.s32 @!p0 $0x100000, s0;
	[bflag:$0x2] =	sbarrier.arrive $0xFFFF  }
0x8e: {  	[sflag:s0] =	ssyncadd.tile.s32 @!p0 $0x1;
	_ =	shalt  }
.Lfunc_end2:
_tile_overlayer_lowered:
.L_overlay_start_2:
0x8f: {  	(tag) =	ssettag $0x2  }
0x90: {  	s0 =	rddreg [dreg:$0x0];
	s2 =	stileid.u32  }
0x91: {  	s1 =	rddreg [dreg:$0x1];
	p0 =	sne.s32 s2, $0x0  }
0x92: {  	s3 =	rddreg [dreg:$0x2];
	[bflag:$0x3] =	sbarrier.arrive $0xFFFF;
	s2 =	simm.s32 @!p0 $0x1C03  }
0x93: {  	[timem:s3], [sflag:s2] =	dma.local @!p0 [hbm:s0], s1  }
0x94: {  	s0 =	simm.s32 @!p0 $0x3  }
0x95: {  	_ =	swait.ge @!p0 [sflag:s0], s1  }
0x96: {  	s1 =	ssub.s32 @!p0 $0x0, s1;
	[sflag:s0] =	ssyncset.done @!p0 $0x0  }
0x97: {  	[sflag:s0] =	ssyncadd.s32 @!p0 s1  }
0x98: {  	[bflag:$0x3] =	sbarrier.arrive $0xFFFF  }
0x99: {  	_ =	shalt  }

// kernel: kernel.9.cloned.1.call-start
scs
__scs_entry_jumppad:
0x0: {  	(pc) =	sbr.rel $0x88, $3  }
0x1: {  	(tag) =	ssettag $0x0;
	lr =	simm.s32 $0x1  }
0x2: {  	[smem:$0x3F9C] =	sst lr;
	_ =	strace $0xD0000000  }
0x3: {  	_ = 	snop  }
0x4: {  	_ = 	snop  }
0x5: {  	_ = 	snop  }
0x6: {  	_ = 	snop  }
0x7: {  	_ = 	snop  }
__scs_overlays_trampoline_lowered:
0x8: {  	[smem:$0x3FAB] =	sst s0  }
0x9: {  	[smem:$0x3FAC] =	sst s1  }
0xa: {  	[smem:$0x3FAD] =	sst s2  }
0xb: {  	[smem:$0x3FAE] =	sst s3  }
0xc: {  	[smem:$0x3FAF] =	sst s4  }
0xd: {  	[smem:$0x3FB0] =	sst s5  }
0xe: {  	[smem:$0x3FB1] =	sst s6  }
0xf: {  	[smem:$0x3FB2] =	sst s7  }
0x10: {  	[smem:$0x3FB3] =	sst s8  }
0x11: {  	[smem:$0x3FB4] =	sst s9;
	s0 =	simm.s32 @!p0 $0x0  }
0x12: {  	s1 =	sld [smem:$0x3F9A];
	s0 =	simm.s32 @p0 $0x1  }
0x13: {  	[smem:$0x3FB5] =	sst s0;
	s0 =	simm.s32 @!p1 $0x0  }
0x14: {  	s2 =	sld [smem:$0x3F99];
	s0 =	simm.s32 @p1 $0x1  }
0x15: {  	[smem:$0x3FB6] =	sst s0;
	s0 =	simm.s32 @!p2 $0x0  }
0x16: {  	s3 =	sld [smem:$0x3FDB];
	s0 =	simm.s32 @p2 $0x1  }
0x17: {  	s4 =	simm.s32 $0x1BF5;
	[smem:$0x3FB8] =	sst s0  }
0x18: {  	s0 =	sld [smem:$0x3F9B];
	_ =	swait.ge [sflag:s4], $0x0  }
0x19: {  	s7 =	sld [smem:$0x3F9C]  }
0x1a: {  	s8 =	sadd.s32 $0xFFFFE003, lr  }
0x1b: {  	s9 =	sadd.s32 $0xFFFFFEF7, lr;
	s5 =	simm.s32 $0xFFFFFFFF;
	p2 =	slt.u32 s8, $0xFFFFF086  }
0x1c: {  	p1 =	slt.u32 s9, $0xF7A;
	s5 =	simm.s32 @!p2 $0x0  }
0x1d: {  	s5 =	simm.s32 @p1 $0x1;
	p0 =	seq.s32 s7, s2  }
0x1e: {  	s7 =	smul.u32 @!p0 $0xF7A, s2;
	p2 =	seq.s32 @!p0 s5, $0x0  }
0x1f: {  	s9 =	smul.u32 $0xF7A, s1;
	s8 =	simm.s32 @!p0 $0x1BF5;
	p2 =	por !p2, p0  }
0x20: {  	[sflag:s8] =	ssyncset.s32 @!p0 $0xFFFFF086;
	s6 =	sadd.s32 @!p0 s3, s7;
	s7 =	simm.s32 @!p0 $0x108  }
0x21: {  	s3 =	sadd.s32 s3, s9;
	s6 =	sadd.s32 @!p0 $0x88, s6;
	s7 =	simm.s32 @p2 $0x1082  }
0x22: {  	[simem:s7], [sflag:s8] =	dma.local @!p0 [hbm:s6], $0xF7A  }
0x23: {  	s9 =	sor.u32 $0xD0000000, s2;
	s6 =	simm.s32 $0x108;
	_ =	swait.ge @!p0 [sflag:s8], $0x0  }
0x24: {  	s3 =	sadd.s32 $0x88, s3;
	s6 =	simm.s32 @!p1 $0x1082;
	[sflag:s4] =	ssyncset.s32 $0xFFFFF086  }
0x25: {  	[simem:s6], [sflag:s4] =	dma.local [hbm:s3], $0xF7A  }
0x26: {  	[smem:$0x3F9C] =	sst s1;
	(tag) =	ssettag s2;
	_ =	strace s9  }
0x27: {  	s1 =	sld [smem:$0x3FAC]  }
0x28: {  	s2 =	sld [smem:$0x3FAD]  }
0x29: {  	s4 =	sld [smem:$0x3FAF]  }
0x2a: {  	p0 =	seq.s32 s5, $0x0;
	s5 =	sld [smem:$0x3FB0]  }
0x2b: {  	s6 =	sld [smem:$0x3FB1]  }
0x2c: {  	s7 =	sld [smem:$0x3FB2]  }
0x2d: {  	s3 =	simm.s32 $0x108;
	s8 =	sld [smem:$0x3FB3]  }
0x2e: {  	s3 =	simm.s32 @!p0 $0x1082;
	s9 =	sld [smem:$0x3FB4]  }
0x2f: {  	lr =	sadd.s32 s0, s3;
	s0 =	sld [smem:$0x3FAB]  }
0x30: {  	s3 =	sld [smem:$0x3FAE]  }
0x31: {  	[smem:$0x3FB7] =	sst s10  }
0x32: {  	s10 =	sld [smem:$0x3FB5];
	_ =	sdelay $0x3  }
0x33: {  	p0 =	seq.s32 s10, $0x1;
	s10 =	sld [smem:$0x3FB7];
	_ =	sdelay $0x3  }
0x34: {  	[smem:$0x3FB7] =	sst s10  }
0x35: {  	s10 =	sld [smem:$0x3FB6];
	_ =	sdelay $0x3  }
0x36: {  	p1 =	seq.s32 s10, $0x1;
	s10 =	sld [smem:$0x3FB7];
	_ =	sdelay $0x3  }
0x37: {  	[smem:$0x3FB7] =	sst s10  }
0x38: {  	s10 =	sld [smem:$0x3FB8]  }
0x39: {  	_ = 	snop;
	(pc) =	sbr.ind lr, $3  }
0x3a: {  	_ = 	snop  }
0x3b: {  	_ = 	snop  }
0x3c: {  	p2 =	seq.s32 s10, $0x1;
	s10 =	sld [smem:$0x3FB7]  }
0x3d: {  	_ =	shalt  }
0x3e: {  	_ =	shalt  }
0x3f: {  	_ =	shalt  }
0x40: {  	_ =	shalt  }
0x41: {  	_ =	shalt  }
0x42: {  	_ =	shalt  }
0x43: {  	_ =	shalt  }
0x44: {  	_ =	shalt  }
0x45: {  	_ =	shalt  }
0x46: {  	_ =	shalt  }
0x47: {  	_ =	shalt  }
0x48: {  	_ =	shalt  }
0x49: {  	_ =	shalt  }
0x4a: {  	_ =	shalt  }
0x4b: {  	_ =	shalt  }
0x4c: {  	_ =	shalt  }
0x4d: {  	_ =	shalt  }
0x4e: {  	_ =	shalt  }
0x4f: {  	_ =	shalt  }
0x50: {  	_ =	shalt  }
0x51: {  	_ =	shalt  }
0x52: {  	_ =	shalt  }
0x53: {  	_ =	shalt  }
0x54: {  	_ =	shalt  }
0x55: {  	_ =	shalt  }
0x56: {  	_ =	shalt  }
0x57: {  	_ =	shalt  }
0x58: {  	_ =	shalt  }
0x59: {  	_ =	shalt  }
0x5a: {  	_ =	shalt  }
0x5b: {  	_ =	shalt  }
0x5c: {  	_ =	shalt  }
0x5d: {  	_ =	shalt  }
0x5e: {  	_ =	shalt  }
0x5f: {  	_ =	shalt  }
0x60: {  	_ =	shalt  }
0x61: {  	_ =	shalt  }
0x62: {  	_ =	shalt  }
0x63: {  	_ =	shalt  }
0x64: {  	_ =	shalt  }
0x65: {  	_ =	shalt  }
0x66: {  	_ =	shalt  }
0x67: {  	_ =	shalt  }
0x68: {  	_ =	shalt  }
0x69: {  	_ =	shalt  }
0x6a: {  	_ =	shalt  }
0x6b: {  	_ =	shalt  }
0x6c: {  	_ =	shalt  }
0x6d: {  	_ =	shalt  }
0x6e: {  	_ =	shalt  }
0x6f: {  	_ =	shalt  }
0x70: {  	_ =	shalt  }
0x71: {  	_ =	shalt  }
0x72: {  	_ =	shalt  }
0x73: {  	_ =	shalt  }
0x74: {  	_ =	shalt  }
0x75: {  	_ =	shalt  }
0x76: {  	_ =	shalt  }
0x77: {  	_ =	shalt  }
0x78: {  	_ =	shalt  }
0x79: {  	_ =	shalt  }
0x7a: {  	_ =	shalt  }
0x7b: {  	_ =	shalt  }
0x7c: {  	_ =	shalt  }
0x7d: {  	_ =	shalt  }
0x7e: {  	_ =	shalt  }
0x7f: {  	_ =	shalt  }
0x80: {  	_ =	shalt  }
0x81: {  	_ =	shalt  }
0x82: {  	_ =	shalt  }
0x83: {  	_ =	shalt  }
0x84: {  	_ =	shalt  }
0x85: {  	_ =	shalt  }
0x86: {  	_ =	shalt  }
0x87: {  	_ =	shalt  }
.Lfunc_end0:
.L_simem_size_0:
called_computation.1_lowered:
.L_overlay_start_0:
0x88: {  	s2 =	sld [smem:$0x3FD9]  }
0x89: {  	s3 =	sld [smem:$0x3FFE];
	_ =	sdelay $0x1  }
0x8a: {  	s1 =	srdreg.scid  }
0x8b: {  	s0 =	sand.u32 $0x1, s1  }
0x8c: {  	s17 =	sshll.u32 s0, $0xA;
	s2 =	sadd.s32 s3, s2  }
0x8d: {  	s2 =	sadd.s32 s2, s17  }
0x8e: {  	[smem:$0x3FC3] =	sst s2  }
0x8f: {  	_ = 	snop  }
0x90: {  	s18 =	sld [smem:$0x3FD0];
	(tm) =	ssettm $0x1  }
0x91: {  	s19 =	sld [smem:$0x3FFB];
	_ =	sdelay $0x3  }
0x92: {  	_ =	strace s19  }
0x93: {  	s2 =	sld [smem:$0x3FFC];
	_ =	sdelay $0x3  }
0x94: {  	_ =	strace s2  }
0x95: {  	s2 =	sld [smem:$0x3FFD];
	_ =	sdelay $0x3  }
0x96: {  	_ =	strace s2  }
0x97: {  	_ =	strace $0x8FFFFFFF  }
0x98: {  	s20 =	sld [smem:$0x3FDB];
	_ =	sdelay $0x1  }
0x99: {  	s4 =	simm.s32 $_scs_section_size  }
0x9a: {  	s5 =	simm.s32 $_size__tile_overlayer_lowered;
	s6 =	simm.s32 $_tile_overlayer_lowered  }
0x9b: {  	s7 =	simm.s32 $0x1BFF;
	s21 =	sshll.u32 s6, $0x1;
	s4 =	sadd.s32 s4, s20  }
0x9c: {  	s22 =	simm.s32 $0x0;
	s5 =	sshll.u32 s5, $0x1;
	s6 =	sadd.s32 s21, s4  }
0x9d: {  	[timem:s22], [sflag:s7] =	dma.local [hbm:s6], s5  }
0x9e: {  	_ =	swait.ge [sflag:s7], s5  }
0x9f: {  	s5 =	ssub.s32 $0x0, s5;
	[sflag:s7] =	ssyncset.done $0x0  }
0xa0: {  	[sflag:s7] =	ssyncadd.s32 s5;
	_ =	sdelay $0x1  }
0xa1: {  	s23 =	simm.s32 $0x1B8B  }
0xa2: {  	_ =	swait.ge [sflag:s23], $0x1  }
0xa3: {  	[sflag:s23] =	ssyncset.done $0x0  }
0xa4: {  	[sflag:s23] =	ssyncadd.s32 $0xFFFFFFFF  }
0xa5: {  	s5 =	sld [smem:$0x0]  }
0xa6: {  	s6 =	sand.u32 $0xFFFFFFFE, s1  }
0xa7: {  	p0 =	sne.s32 s1, s6  }
0xa8: {  	s6 =	sshll.u32 @p0 s6, $0xE  }
0xa9: {  	s6 =	sadd.s32 @p0 $0x11B8D, s6;
	s7 =	sshll.u32 @p0 s5, $0x11  }
0xaa: {  	s6 =	sor.u32 @p0 s7, s6  }
0xab: {  	[sflag:s6] =	ssyncadd.remote.s32 @p0 $0x1;
	_ =	sdelay $0x1  }
0xac: {  	s6 =	simm.s32 @p0 $0x1B8D  }
0xad: {  	_ =	swait.eq @p0 [sflag:s6], $0x1  }
0xae: {  	[sflag:s6] =	ssyncadd.s32 @p0 $0xFFFFFFFF  }
0xaf: {  	s7 =	sshll.u32 @!p0 s1, $0xE  }
0xb0: {  	s7 =	sor.u32 @!p0 $0x4000, s7;
	s6 =	simm.s32 @!p0 $0x1B8D  }
0xb1: {  	s5 =	sshll.u32 @!p0 s5, $0x11;
	s7 =	sadd.s32 @!p0 $0x11B8D, s7;
	_ =	swait.eq @!p0 [sflag:s6], $0x1  }
0xb2: {  	s5 =	sor.u32 @!p0 s5, s7;
	[sflag:s6] =	ssyncadd.s32 @!p0 $0xFFFFFFFF  }
0xb3: {  	s25 =	simm.s32 $0x1B8E;
	s24 =	sld [smem:$0x3FFE];
	[sflag:s5] =	ssyncadd.remote.s32 @!p0 $0x1  }
0xb4: {  	s26 =	simm.s32 $execute0_lowered;
	[smem:$0x3FD2] =	sst s25  }
0xb5: {  	s6 =	sshll.u32 s26, $0x1;
	_ =	strace $0x80000049;
	[dreg:$0x1] =	wrdreg $0xFFFFFFFF  }
0xb6: {  	s28 =	simm.s32 $_size_execute0_lowered;
	s4 =	sadd.s32 s4, s6;
	[dreg:$0x0] =	wrdreg $0x0  }
0xb7: {  	s6 =	sshll.u32 s28, $0x1;
	[dreg:$0x2] =	wrdreg s4  }
0xb8: {  	[dreg:$0x3] =	wrdreg s6  }
0xb9: {  	[dreg:$0x4] =	wrdreg $0xC0  }
0xba: {  	_ =	task [dreg:s22], $0x5FFFF  }
0xbb: {  	[dreg:$0x1] =	wrdreg $0xFFFFFFFF  }
0xbc: {  	[dreg:$0x0] =	wrdreg $0x60  }
0xbd: {  	[dreg:$0x2] =	wrdreg s24  }
0xbe: {  	[dreg:$0x3] =	wrdreg s18  }
0xbf: {  	[dreg:$0x4] =	wrdreg $0xA  }
0xc0: {  	_ =	task.clear_ibuf [dreg:s22], $0x5FFFF;
	_ =	strace $0x90000049  }
0xc1: {  	s29 =	simm.s32 $0xA;
	_ =	strace $0x8000004B  }
0xc2: {  	_ =	swait.ge [sflag:s29], $0x1  }
0xc3: {  	[sflag:s29] =	ssyncadd.s32 $0xFFFFFFFF  }
0xc4: {  	_ =	strace $0x9000004B  }
0xc5: {  	_ =	sfence  }
0xc6: {  	s30 =	sld [smem:$0x0];
	_ =	sdelay $0x2  }
0xc7: {  	s31 =	sshll.u32 s1, $0xD;
	s1 =	sshrl.u32 s1, $0x2  }
0xc8: {  	s4 =	sand.u32 $0x4000, s31;
	s1 =	sadd.s32 s1, s30  }
0xc9: {  	s0 =	sor.u32 s4, s0;
	s1 =	sshll.u32 s1, $0x11  }
0xca: {  	s0 =	sor.u32 s1, s0  }
0xcb: {  	s0 =	sadd.s32 $0x8F2B, s0  }
0xcc: {  	[sflag:s0] =	ssyncadd.remote.s32 $0x1  }
0xcd: {  	_ =	sfence.sel $0xFFFF  }
0xce: {  	[dreg:$0x0] =	wrdreg $0xFFFFFFFF;
	(pc) =	sbr.abs _section_cstart, $3  }
0xcf: {  	[dreg:$0x1] =	wrdreg $0xFFFFFFFF  }
0xd0: {  	_ =	task.clear_ibuf [dreg:s22], $0x2FFFF;
	_ =	strace $0x9FFFFFFF  }
0xd1: {  	(tm) =	ssettm $0x7FFFFFFF  }
tec
execute0_lowered:
.L_overlay_start_1:
0x0: {  	(tag) =	ssettag $0x1  }
0x1: {  	s4 =	rddreg [dreg:$0x0]  }
0x2: {  	s2 =	rddreg [dreg:$0x1]  }
0x3: {  	s0 =	rddreg [dreg:$0x2];
	s5 =	srdreg.scid  }
0x4: {  	s1 =	stileid.u32;
	s3 =	simm.s32 $0x0;
	s9 =	simm.s32 $0x80  }
0x5: {  	s10 =	simm.s32 $0x800;
	s11 =	simm.s32 $0x4800;
	s12 =	simm.s32 $0x1  }
0x6: {  	s13 =	simm.s32 $0x2;
	s14 =	simm.s32 $0x8800;
	s15 =	simm.s32 $0x0  }
0x7: {  	s5 =	sand.u32 $0x1, s5;
	s6 =	sshll.u32 s1, $0x1;
	[smem:$0x7FF] =	sst s3  }
0x8: {  	s6 =	sor.u32 s5, s6;
	_ =	strace $0x8000004A;
	s5 =	ssub.s32 $0x2, s5  }
0x9: {  	s7 =	sshll.u32 s6, $0x8;
	s8 =	sshrl.u32 s5, $0x1;
	s6 =	smul.u32 $0xA000, s6  }
0xa: {  	s7 =	sadd.s32 s7, s4;
	s4 =	sadd.s32 $0x2CE00, s4;
	s8 =	ssub.s32 s5, s8  }
0xb: {  	s5 =	sadd.s32 $0x2AE00, s7;
	s7 =	smax.u32 s8, $0x1;
	s8 =	simm.s32 $0x3  }
.LBB2_1:
0xc: {  	[tilespmem:s3], [sflag:$0x3] =	stream.linear.gather [hbm4b:s5+s3], $0x500, $0x38;
	[tilespmem:$0xA800] =	vst v63  }
0xd: {  	_ =	swait.ge [sflag:s8], $0x500  }
0xe: {  	[sflag:s8] =	ssyncset.done $0x0  }
0xf: {  	s16 =	simm.s32 $0x0;
	[sflag:s8] =	ssyncadd.s32 $0xFFFFFB00  }
0x10: {  	[tilespmem:s10], [sflag:$0x1] =	stream.indirect.gather [hbm4b:s2+s9], $0x80, s3, s9, $0xb8;
	[tilespmem:$0xA800] =	vst v63  }
.LBB2_2:
0x11: {  	s17 =	sshll.u32 s16, $0x8  }
0x12: {  	s17 =	sand.u32 $0x3FFFFF00, s17  }
0x13: {  	s18 =	sor.u32 $0x80, s17  }
0x14: {  	[tilespmem:s11], [sflag:$0x2] =	stream.indirect.gather [hbm4b:s2+s9], $0x80, s18, s9, $0xb8;
	[tilespmem:$0xA800] =	vst v63  }
0x15: {  	_ =	swait.ge [sflag:s12], $0x4000  }
0x16: {  	[sflag:s12] =	ssyncset.done $0x0  }
0x17: {  	s18 =	simm.s32 $0x900;
	[sflag:s12] =	ssyncadd.s32 $0xFFFFC000  }
0x18: {  	v0 =	vld [tilespmem:s18+$0xFFFFFF00];
	_ =	sdelay $0x3  }
0x19: {  	s19 =	simm.s32 $0x8840  }
0x1a: {  	[tilespmem:s19+$0xFFFFFFC0] =	vst v0  }
0x1b: {  	v0 =	vld [tilespmem:s18+$0xFFFFFF10];
	_ =	sdelay $0x4  }
0x1c: {  	[tilespmem:s19+$0xFFFFFFD0] =	vst v0  }
0x1d: {  	v0 =	vld [tilespmem:s18+$0xFFFFFF80];
	_ =	sdelay $0x4  }
0x1e: {  	[tilespmem:s19+$0xFFFFFFE0] =	vst v0  }
0x1f: {  	v0 =	vld [tilespmem:s18+$0xFFFFFF90];
	_ =	sdelay $0x2  }
0x20: {  	s20 =	simm.s32 $0x20  }
0x21: {  	s20 =	sor.u32 $0x30, s20  }
0x22: {  	[tilespmem:s20+$0x8800] =	vst v0  }
0x23: {  	v0 =	vld [tilespmem:s18+$0x0];
	_ =	sdelay $0x4  }
0x24: {  	[tilespmem:s19+$0x0] =	vst v0  }
0x25: {  	v0 =	vld [tilespmem:s18+$0x10];
	_ =	sdelay $0x2  }
0x26: {  	s31 =	simm.s32 $0x40  }
0x27: {  	s20 =	sor.u32 $0x50, s31  }
0x28: {  	[tilespmem:s20+$0x8800] =	vst v0  }
0x29: {  	v0 =	vld [tilespmem:s18+$0x80];
	_ =	sdelay $0x4  }
0x2a: {  	[tilespmem:s19+$0x20] =	vst v0  }
0x2b: {  	v0 =	vld [tilespmem:s18+$0x90];
	_ =	sdelay $0x2  }
0x2c: {  	s21 =	simm.s32 $0x60  }
0x2d: {  	s21 =	sor.u32 $0x70, s21;
	s20 =	simm.s32 $0xE0  }
.LBB2_3:
0x2e: {  	p0 =	sne.s32 s20, $0xFE0;
	[tilespmem:s21+$0x8800] =	vst v0;
	s19 =	sadd.s32 $0x80, s19;
	s18 =	sadd.s32 $0x200, s18  }
0x2f: {  	s21 =	smov.u32 s20;
	s20 =	sadd.s32 $0x80, s20;
	v0 =	vld [tilespmem:s18+$0xFFFFFF00];
	_ =	sdelay $0x4  }
0x30: {  	[tilespmem:s19+$0xFFFFFFC0] =	vst v0  }
0x31: {  	v0 =	vld [tilespmem:s18+$0xFFFFFF10];
	_ =	sdelay $0x4  }
0x32: {  	[tilespmem:s19+$0xFFFFFFD0] =	vst v0  }
0x33: {  	v0 =	vld [tilespmem:s18+$0xFFFFFF80];
	_ =	sdelay $0x4  }
0x34: {  	[tilespmem:s19+$0xFFFFFFE0] =	vst v0  }
0x35: {  	v0 =	vld [tilespmem:s18+$0xFFFFFF90];
	_ =	sdelay $0x2  }
0x36: {  	s22 =	sadd.s32 $0xFFFFFFC0, s21  }
0x37: {  	s22 =	sor.u32 $0x30, s22  }
0x38: {  	[tilespmem:s22+$0x8800] =	vst v0  }
0x39: {  	v0 =	vld [tilespmem:s18+$0x0];
	_ =	sdelay $0x4  }
0x3a: {  	[tilespmem:s19+$0x0] =	vst v0  }
0x3b: {  	v0 =	vld [tilespmem:s18+$0x10];
	_ =	sdelay $0x2  }
0x3c: {  	s22 =	sadd.s32 $0xFFFFFFE0, s21  }
0x3d: {  	s22 =	sor.u32 $0x50, s22  }
0x3e: {  	[tilespmem:s22+$0x8800] =	vst v0  }
0x3f: {  	v0 =	vld [tilespmem:s18+$0x80];
	_ =	sdelay $0x4  }
0x40: {  	[tilespmem:s19+$0x20] =	vst v0  }
.Ltmp0:
0x41: {  	v0 =	vld [tilespmem:s18+$0x90];
	(pc) =	sbr.rel @p0 .LBB2_3-.Ltmp0, $2  }
0x42: {  	_ =	sdelay $0x2  }
0x43: {  	s21 =	sor.u32 $0x70, s21  }
0x44: {  	p0 =	seq.s32 s16, $0x4  }
0x45: {  	[tilespmem:s21+$0x8800] =	vst v0;
	s17 =	sadd.s32 @!p0 $0x100, s17;
	s18 =	simm.s32 @!p0 $0x80;
	s19 =	simm.s32 @!p0 $0x800  }
0x46: {  	[tilespmem:s19], [sflag:$0x1] =	stream.indirect.gather @!p0 [hbm4b:s2+s18], $0x80, s17, s18, $0xb8;
	[tilespmem:$0xA800] =	vst v63  }
0x47: {  	_ =	swait.ge [sflag:s13], $0x4000  }
0x48: {  	[sflag:s13] =	ssyncset.done $0x0  }
0x49: {  	s31 =	simm.s32 $0x0;
	[sflag:s13] =	ssyncadd.s32 $0xFFFFC000  }
0x4a: {  	v63 =	vld [tilespmem:s31+$0x4800];
	_ =	sdelay $0x3  }
0x4b: {  	s17 =	simm.s32 $0x9870  }
0x4c: {  	[tilespmem:s17+$0xFFFFFF90] =	vst v63  }
0x4d: {  	v0 =	vld [tilespmem:s31+$0x4810];
	_ =	sdelay $0x4  }
0x4e: {  	[tilespmem:s17+$0xFFFFFFA0] =	vst v0  }
0x4f: {  	v0 =	vld [tilespmem:s31+$0x4880];
	_ =	sdelay $0x4  }
0x50: {  	[tilespmem:s17+$0xFFFFFFB0] =	vst v0  }
0x51: {  	v0 =	vld [tilespmem:s31+$0x4890];
	_ =	sdelay $0x4  }
0x52: {  	[tilespmem:s17+$0xFFFFFFC0] =	vst v0  }
0x53: {  	v0 =	vld [tilespmem:s31+$0x4900];
	_ =	sdelay $0x4  }
0x54: {  	[tilespmem:s17+$0xFFFFFFD0] =	vst v0  }
0x55: {  	v0 =	vld [tilespmem:s31+$0x4910];
	_ =	sdelay $0x4  }
0x56: {  	[tilespmem:s17+$0xFFFFFFE0] =	vst v0  }
0x57: {  	v0 =	vld [tilespmem:s31+$0x4980];
	_ =	sdelay $0x4  }
0x58: {  	[tilespmem:s17+$0xFFFFFFF0] =	vst v0  }
0x59: {  	v0 =	vld [tilespmem:s31+$0x4990];
	_ =	sdelay $0x4  }
0x5a: {  	s18 =	simm.s32 $0x200;
	s19 =	simm.s32 $0x1000;
	[tilespmem:s17+$0x0] =	vst v0  }
.LBB2_5:
0x5b: {  	p0 =	sne.s32 s19, $0xF800;
	v0 =	vld [tilespmem:s18+$0x4800];
	_ =	sdelay $0x3  }
0x5c: {  	s17 =	sadd.s32 $0x80, s17  }
0x5d: {  	[tilespmem:s17+$0xFFFFFF90] =	vst v0  }
0x5e: {  	v0 =	vld [tilespmem:s18+$0x4810];
	_ =	sdelay $0x4  }
0x5f: {  	[tilespmem:s17+$0xFFFFFFA0] =	vst v0  }
0x60: {  	v0 =	vld [tilespmem:s18+$0x4880];
	_ =	sdelay $0x4  }
0x61: {  	[tilespmem:s17+$0xFFFFFFB0] =	vst v0  }
0x62: {  	v0 =	vld [tilespmem:s18+$0x4890];
	_ =	sdelay $0x4  }
0x63: {  	[tilespmem:s17+$0xFFFFFFC0] =	vst v0  }
0x64: {  	v0 =	vld [tilespmem:s18+$0x4900];
	_ =	sdelay $0x4  }
0x65: {  	[tilespmem:s17+$0xFFFFFFD0] =	vst v0  }
0x66: {  	v0 =	vld [tilespmem:s18+$0x4910];
	_ =	sdelay $0x4  }
0x67: {  	[tilespmem:s17+$0xFFFFFFE0] =	vst v0  }
0x68: {  	v0 =	vld [tilespmem:s18+$0x4980];
	_ =	sdelay $0x4  }
0x69: {  	[tilespmem:s17+$0xFFFFFFF0] =	vst v0  }
0x6a: {  	v0 =	vld [tilespmem:s18+$0x4990]  }
.Ltmp1:
0x6b: {  	(pc) =	sbr.rel @p0 .LBB2_5-.Ltmp1, $2  }
0x6c: {  	_ =	sdelay $0x2  }
0x6d: {  	s18 =	sshra.s32 s19, $0x2;
	s19 =	sadd.s32 $0x800, s19;
	[tilespmem:s17+$0x0] =	vst v0  }
0x6e: {  	v0 =	vld [tilespmem:s18+$0x4800];
	_ =	sdelay $0x3  }
0x6f: {  	s17 =	sadd.s32 $0x80, s17  }
0x70: {  	[tilespmem:s17+$0xFFFFFF90] =	vst v0  }
0x71: {  	v0 =	vld [tilespmem:s18+$0x4810];
	_ =	sdelay $0x4  }
0x72: {  	[tilespmem:s17+$0xFFFFFFA0] =	vst v0  }
0x73: {  	v0 =	vld [tilespmem:s18+$0x4880];
	_ =	sdelay $0x4  }
0x74: {  	[tilespmem:s17+$0xFFFFFFB0] =	vst v0  }
0x75: {  	v0 =	vld [tilespmem:s18+$0x4890];
	_ =	sdelay $0x4  }
0x76: {  	[tilespmem:s17+$0xFFFFFFC0] =	vst v0  }
0x77: {  	v0 =	vld [tilespmem:s18+$0x4900];
	_ =	sdelay $0x4  }
0x78: {  	[tilespmem:s17+$0xFFFFFFD0] =	vst v0  }
0x79: {  	v0 =	vld [tilespmem:s18+$0x4910];
	_ =	sdelay $0x4  }
0x7a: {  	[tilespmem:s17+$0xFFFFFFE0] =	vst v0  }
0x7b: {  	v0 =	vld [tilespmem:s18+$0x4980];
	_ =	sdelay $0x4  }
0x7c: {  	[tilespmem:s17+$0xFFFFFFF0] =	vst v0  }
0x7d: {  	v0 =	vld [tilespmem:s18+$0x4990];
	_ =	sdelay $0x1  }
0x7e: {  	s30 =	sshll.u32 s16, $0xD  }
0x7f: {  	s16 =	sadd.s32 $0x1, s16;
	s18 =	sadd.s32 s6, s30  }
0x80: {  	p0 =	sne.s32 s16, $0x5;
	s18 =	sshrl.u32 s18, $0x3  }
.Ltmp2:
0x81: {  	s31 =	sadd.s32 s4, s18;
	[tilespmem:s17+$0x0] =	vst v0;
	(pc) =	sbr.rel @p0 .LBB2_2-.Ltmp2, $4  }
0x82: {  	[hbm4b:s31+s3] =	stream.linear.scatter [tilespmem:s14], [sflag:$0x3], $0x2000, $0x38;
	[tilespmem:$0xA800] =	vst v63  }
0x83: {  	_ =	swait.ge [sflag:s8], $0x2000  }
0x84: {  	[sflag:s8] =	ssyncset.done $0x0  }
0x85: {  	[sflag:s8] =	ssyncadd.s32 $0xFFFFE000  }
0x86: {  	s15 =	sadd.s32 $0x1, s15  }
0x87: {  	p0 =	sne.s32 s15, s7  }
.Ltmp3:
0x88: {  	_ = 	snop;
	(pc) =	sbr.rel @p0 .LBB2_1-.Ltmp3, $1  }
0x89: {  	_ =	sdelay $0x3  }
0x8a: {  	_ =	sfence.sel $0x180000  }
0x8b: {  	[bflag:$0x0] =	sbarrier.arrive $0xFFFF  }
0x8c: {  	p0 =	sne.s32 s1, $0x0;
	_ =	strace $0x9000004A  }
0x8d: {  	s0 =	sadd.s32 @!p0 $0x100000, s0;
	[bflag:$0x2] =	sbarrier.arrive $0xFFFF  }
0x8e: {  	[sflag:s0] =	ssyncadd.tile.s32 @!p0 $0x1;
	_ =	shalt  }
.Lfunc_end2:
_tile_overlayer_lowered:
.L_overlay_start_2:
0x8f: {  	(tag) =	ssettag $0x2  }
0x90: {  	s0 =	rddreg [dreg:$0x0];
	s2 =	stileid.u32  }
0x91: {  	s1 =	rddreg [dreg:$0x1];
	p0 =	sne.s32 s2, $0x0  }
0x92: {  	s3 =	rddreg [dreg:$0x2];
	[bflag:$0x3] =	sbarrier.arrive $0xFFFF;
	s2 =	simm.s32 @!p0 $0x1C03  }
0x93: {  	[timem:s3], [sflag:s2] =	dma.local @!p0 [hbm:s0], s1  }
0x94: {  	s0 =	simm.s32 @!p0 $0x3  }
0x95: {  	_ =	swait.ge @!p0 [sflag:s0], s1  }
0x96: {  	s1 =	ssub.s32 @!p0 $0x0, s1;
	[sflag:s0] =	ssyncset.done @!p0 $0x0  }
0x97: {  	[sflag:s0] =	ssyncadd.s32 @!p0 s1  }
0x98: {  	[bflag:$0x3] =	sbarrier.arrive $0xFFFF  }
0x99: {  	_ =	shalt  }

</sc_bundles>
